<compile_context>
chip_gen: v7x
topology: tpu7x:2x2x1
jax: 0.10.2.dev20260603
libtpu: 0.0.44.dev20260713+nightly
codegen_flags: <defaults>
</compile_context>

<pallas_src>
import functools

import jax
import jax.numpy as jnp
from jax import lax
from jax.experimental import pallas as pl
from jax.experimental.pallas import tpu as pltpu
from jax.experimental.pallas import tpu_sc as plsc

M = 2048
LCACHE = 1024
D = 1024
NH = 16
DH = 64
E = 16
DFF = 1024
BQ = 256
SLAB = BQ + LCACHE
BT = 128
NPAD = M + E * BT
NBLK = NPAD // BT

_SC_NC, _SC_NS = 2, 16
_NW = _SC_NC * _SC_NS
_TOK_W = M // _NW


def _ln(x, g, b):
    mu = jnp.mean(x, axis=-1, keepdims=True)
    var = jnp.mean((x - mu) ** 2, axis=-1, keepdims=True)
    return (x - mu) * lax.rsqrt(var + 1e-5) * g + b



def _qkv_body(x_ref, wq_ref, wk_ref, wv_ref, q_ref, k_ref, v_ref):
    x = x_ref[...]
    for w_ref, o_ref in ((wq_ref, q_ref), (wk_ref, k_ref), (wv_ref, v_ref)):
        y = jnp.dot(x, w_ref[...], preferred_element_type=jnp.float32)
        for hh in range(NH):
            o_ref[hh] = y[:, hh * DH:(hh + 1) * DH]


def _qkv(h_all, Wq, Wk, Wv):
    n = h_all.shape[0]
    bs_x = pl.BlockSpec((BQ, D), lambda i: (i, 0))
    bs_w = pl.BlockSpec((D, D), lambda i: (0, 0))
    bs_o = pl.BlockSpec((NH, BQ, DH), lambda i: (0, i, 0))
    out = jax.ShapeDtypeStruct((NH, n, DH), jnp.float32)
    return pl.pallas_call(
        _qkv_body,
        grid=(n // BQ,),
        in_specs=[bs_x, bs_w, bs_w, bs_w],
        out_specs=[bs_o, bs_o, bs_o],
        out_shape=[out, out, out],
    )(h_all, Wq, Wk, Wv)



def _attn_body(q_ref, k_ref, v_ref, pe_ref, o_ref):
    i = pl.program_id(1)
    q = q_ref[0] * 0.125
    p = jnp.dot(q, pe_ref[...], preferred_element_type=jnp.float32)
    row = lax.broadcasted_iota(jnp.int32, (BQ, LCACHE), 0)
    for b in range(8):
        s = 1 << b
        rolled = jnp.roll(p, s, axis=1)
        p = jnp.where((row & s) != 0, rolled, p)
    pos = jnp.concatenate([p, p[:, :BQ]], axis=1)
    ks = k_ref[0, pl.ds(i * BQ, SLAB), :]
    vs = v_ref[0, pl.ds(i * BQ, SLAB), :]
    cont = lax.dot_general(q, ks, (((1,), (1,)), ((), ())),
                           preferred_element_type=jnp.float32)
    a2 = lax.broadcasted_iota(jnp.int32, (BQ, SLAB), 1)
    r2 = lax.broadcasted_iota(jnp.int32, (BQ, SLAB), 0)
    valid = (a2 >= r2) & (a2 < r2 + LCACHE)
    scores = jnp.where(valid, cont + pos, -1e30)
    m = jnp.max(scores, axis=1, keepdims=True)
    ex = jnp.exp(scores - m)
    probs = ex / jnp.sum(ex, axis=1, keepdims=True)
    o_ref[0] = jnp.dot(probs, vs, preferred_element_type=jnp.float32)


def _attn(q_all, k_all, v_all, key_pe2d):
    n_all = M + LCACHE
    return pl.pallas_call(
        _attn_body,
        grid=(NH, M // BQ),
        in_specs=[
            pl.BlockSpec((1, BQ, DH), lambda h, i: (h, i + LCACHE // BQ, 0)),
            pl.BlockSpec((1, n_all, DH), lambda h, i: (h, 0, 0)),
            pl.BlockSpec((1, n_all, DH), lambda h, i: (h, 0, 0)),
            pl.BlockSpec((DH, LCACHE), lambda h, i: (0, 0)),
        ],
        out_specs=pl.BlockSpec((1, BQ, DH), lambda h, i: (h, i, 0)),
        out_shape=jax.ShapeDtypeStruct((NH, M, DH), jnp.float32),
    )(q_all, k_all, v_all, key_pe2d)



def _oproj_body(o_ref, wo_ref, h_ref, g_ref, b_ref, out_ref):
    o = jnp.concatenate([o_ref[hh] for hh in range(NH)], axis=1)
    y = jnp.dot(o, wo_ref[...], preferred_element_type=jnp.float32) + h_ref[...]
    out_ref[...] = _ln(y, g_ref[...], b_ref[...])


def _oproj(o, Wo, h2, g, b):
    bs_x = pl.BlockSpec((BQ, D), lambda i: (i, 0))
    bs_w = pl.BlockSpec((D, D), lambda i: (0, 0))
    bs_v = pl.BlockSpec((1, D), lambda i: (0, 0))
    return pl.pallas_call(
        _oproj_body,
        grid=(M // BQ,),
        in_specs=[pl.BlockSpec((NH, BQ, DH), lambda i: (0, i, 0)), bs_w, bs_x, bs_v, bs_v],
        out_specs=bs_x,
        out_shape=jax.ShapeDtypeStruct((M, D), jnp.float32),
    )(o, Wo, h2, g, b)



def _gate_body(x_ref, wg_ref, bg_ref, dest_ref, be_ref, tot_ref):
    logits = jnp.dot(x_ref[...], wg_ref[...],
                     preferred_element_type=jnp.float32) + bg_ref[...]
    mx = jnp.max(logits, axis=1, keepdims=True)
    col = lax.broadcasted_iota(jnp.int32, (M, E), 1)
    eid = jnp.min(jnp.where(logits == mx, col, E), axis=1, keepdims=True)
    H = (col == eid).astype(jnp.float32)
    counts = jnp.sum(H, axis=0, keepdims=True)
    padded = jnp.floor((counts + (BT - 1)) * (1.0 / BT)) * BT
    er = lax.broadcasted_iota(jnp.int32, (E, E), 0)
    ec = lax.broadcasted_iota(jnp.int32, (E, E), 1)
    tri = (er < ec).astype(jnp.float32)
    off = jnp.dot(padded, tri, preferred_element_type=jnp.float32)
    ch = 2 * BT
    for c in range(M // ch):
        Hc = H[c * ch:(c + 1) * ch, :]
        rr = lax.broadcasted_iota(jnp.int32, (ch, M), 0) + c * ch
        cc = lax.broadcasted_iota(jnp.int32, (ch, M), 1)
        tric = (cc < rr).astype(jnp.float32)
        Cc = jnp.dot(tric, H, preferred_element_type=jnp.float32)
        dvals = jnp.sum(Hc * (Cc + off), axis=1, keepdims=True)
        dest_ref[pl.ds(c * ch, ch), :] = dvals.astype(jnp.int32)
    total = jnp.sum(padded)
    bb = lax.broadcasted_iota(jnp.int32, (NBLK, 1), 0).astype(jnp.float32)
    bclamp = jnp.minimum(bb, total * (1.0 / BT) - 1.0)
    cmp = (jnp.broadcast_to(off, (NBLK, E)) <= BT * bclamp).astype(jnp.float32)
    be_ref[...] = (jnp.sum(cmp, axis=1, keepdims=True) - 1.0).astype(jnp.int32)
    tot_ref[...] = jnp.full((1, 1), total * (1.0 / BT), jnp.float32).astype(jnp.int32)


def _gate(x, Wg, bg):
    return pl.pallas_call(
        _gate_body,
        grid=(1,),
        in_specs=[
            pl.BlockSpec((M, D), lambda i: (0, 0)),
            pl.BlockSpec((D, E), lambda i: (0, 0)),
            pl.BlockSpec((1, E), lambda i: (0, 0)),
        ],
        out_specs=[
            pl.BlockSpec((M, 1), lambda i: (0, 0)),
            pl.BlockSpec((NBLK, 1), lambda i: (0, 0)),
            pl.BlockSpec((1, 1), lambda i: (0, 0)),
        ],
        out_shape=[
            jax.ShapeDtypeStruct((M, 1), jnp.int32),
            jax.ShapeDtypeStruct((NBLK, 1), jnp.int32),
            jax.ShapeDtypeStruct((1, 1), jnp.int32),
        ],
    )(x, Wg, bg)



def _dispatch(x, dest):
    mesh = plsc.VectorSubcoreMesh(core_axis_name="c", subcore_axis_name="s")

    @functools.partial(
        pl.kernel,
        out_type=jax.ShapeDtypeStruct((NPAD, D), jnp.float32),
        mesh=mesh,
        scratch_types=[
            pltpu.VMEM((_TOK_W,), jnp.int32),
            pltpu.VMEM((_TOK_W, D), jnp.float32),
            pltpu.SemaphoreType.DMA,
        ],
    )
    def run(x_hbm, dest_hbm, out_hbm, idx_v, rows_v, sem):
        wid = lax.axis_index("s") * _SC_NC + lax.axis_index("c")
        base = wid * _TOK_W
        pltpu.sync_copy(dest_hbm.at[pl.ds(base, _TOK_W)], idx_v)
        pltpu.sync_copy(x_hbm.at[pl.ds(base, _TOK_W)], rows_v)
        pltpu.async_copy(rows_v, out_hbm.at[idx_v], sem).wait()

    return run(x, dest)


def _combine(y_sorted, dest):
    mesh = plsc.VectorSubcoreMesh(core_axis_name="c", subcore_axis_name="s")

    @functools.partial(
        pl.kernel,
        out_type=jax.ShapeDtypeStruct((M, D), jnp.float32),
        mesh=mesh,
        scratch_types=[
            pltpu.VMEM((_TOK_W,), jnp.int32),
            pltpu.VMEM((_TOK_W, D), jnp.float32),
            pltpu.SemaphoreType.DMA,
        ],
    )
    def run(y_hbm, dest_hbm, out_hbm, idx_v, rows_v, sem):
        wid = lax.axis_index("s") * _SC_NC + lax.axis_index("c")
        base = wid * _TOK_W
        pltpu.sync_copy(dest_hbm.at[pl.ds(base, _TOK_W)], idx_v)
        pltpu.async_copy(y_hbm.at[idx_v], rows_v, sem).wait()
        pltpu.sync_copy(rows_v, out_hbm.at[pl.ds(base, _TOK_W)])

    return run(y_sorted, dest)



def _ffn_body(be_ref, tot_ref, x_ref, w1_ref, b1_ref, w2_ref, b2_ref, y_ref):
    bk = pl.program_id(0)

    @pl.when(bk < tot_ref[0])
    def _():
        x = x_ref[...]
        h1 = jnp.maximum(
            jnp.dot(x, w1_ref[0], preferred_element_type=jnp.float32) + b1_ref[0], 0.0)
        y_ref[...] = jnp.dot(h1, w2_ref[0],
                             preferred_element_type=jnp.float32) + b2_ref[0]


def _ffn(be, tot, x_sorted, W1, b1, W2, b2):
    grid_spec = pltpu.PrefetchScalarGridSpec(
        num_scalar_prefetch=2,
        grid=(NBLK,),
        in_specs=[
            pl.BlockSpec((BT, D), lambda bk, be_r, tot_r: (bk, 0)),
            pl.BlockSpec((1, D, DFF), lambda bk, be_r, tot_r: (be_r[bk], 0, 0)),
            pl.BlockSpec((1, 1, DFF), lambda bk, be_r, tot_r: (be_r[bk], 0, 0)),
            pl.BlockSpec((1, DFF, D), lambda bk, be_r, tot_r: (be_r[bk], 0, 0)),
            pl.BlockSpec((1, 1, D), lambda bk, be_r, tot_r: (be_r[bk], 0, 0)),
        ],
        out_specs=pl.BlockSpec((BT, D), lambda bk, be_r, tot_r: (bk, 0)),
    )
    return pl.pallas_call(
        _ffn_body,
        grid_spec=grid_spec,
        out_shape=jax.ShapeDtypeStruct((NPAD, D), jnp.float32),
    )(be, tot, x_sorted, W1, b1.reshape(E, 1, DFF),
      W2, b2.reshape(E, 1, D))



def _final_body(hatt_ref, y_ref, gm_ref, bm_ref, g2_ref, b2_ref, out_ref):
    hatt = hatt_ref[...]
    smoe = _ln(hatt + y_ref[...], gm_ref[...], bm_ref[...])
    out_ref[...] = _ln(hatt + smoe, g2_ref[...], b2_ref[...])


def _final(h_att, y, gm, bm, g2, b2):
    bs_x = pl.BlockSpec((BQ, D), lambda i: (i, 0))
    bs_v = pl.BlockSpec((1, D), lambda i: (0, 0))
    return pl.pallas_call(
        _final_body,
        grid=(M // BQ,),
        in_specs=[bs_x, bs_x, bs_v, bs_v, bs_v, bs_v],
        out_specs=bs_x,
        out_shape=jax.ShapeDtypeStruct((M, D), jnp.float32),
    )(h_att, y, gm, bm, g2, b2)


def kernel(h, h_cache, key_pe, Wq, Wk, Wv, Wo, Wg, bg, W1, b1, W2, b2,
           ln1_g, ln1_b, lnm_g, lnm_b, ln2_g, ln2_b):
    h2 = h[0]
    h_all = jnp.concatenate([h_cache[0], h2], axis=0)
    q_all, k_all, v_all = _qkv(h_all, Wq, Wk, Wv)
    o = _attn(q_all, k_all, v_all, key_pe[0])
    h_att = _oproj(o, Wo, h2, ln1_g.reshape(1, D), ln1_b.reshape(1, D))
    dest2d, be2d, tot2d = _gate(h_att, Wg, bg.reshape(1, E))
    dest = dest2d.reshape(M)
    be = be2d.reshape(NBLK)
    tot = tot2d.reshape(1)
    x_sorted = _dispatch(h_att, dest)
    y_sorted = _ffn(be, tot, x_sorted, W1, b1, W2, b2)
    y = _combine(y_sorted, dest)
    out = _final(h_att, y, lnm_g.reshape(1, D), lnm_b.reshape(1, D),
                 ln2_g.reshape(1, D), ln2_b.reshape(1, D))
    return out.reshape(1, M, D)

# --- scband reference (transcript-rebuilt; emitter-appended) ---
"""Pipeline reference for scband-transformer-seq-layer-10179072491535 (READ-ONLY COPY).

The authoritative reference and input builder live on the scoring server;
editing this copy changes nothing except your own understanding.
"""

import jax, jax.numpy as jnp
import numpy as np

B, M, LCACHE, D, NHEADS = 1, 2048, 1024, 1024, 16
HEAD_DIM = D // NHEADS
E, TOPK, DFF = 16, 1, 1024


def _layer_norm(x, g, b):
    mu = jnp.mean(x, axis=-1, keepdims=True)
    var = jnp.mean((x - mu) ** 2, axis=-1, keepdims=True)
    return (x - mu) / jnp.sqrt(var + 1e-5) * g + b


def _skew(X):
    Bx, Mx, Lx = X.shape
    X = jnp.pad(X, ((0, 0), (0, 0), (0, Mx + 1)))
    X = X.reshape(Bx, -1)[:, :-Mx]
    return X.reshape(Bx, Mx, Mx + Lx)


def _unskew(X):
    Bx, Mx, L0 = X.shape
    Lx = L0 - Mx
    X = X.reshape(Bx, -1)
    X = jnp.pad(X, ((0, 0), (0, Mx)))
    X = X.reshape(Bx, Mx, Mx + Lx + 1)
    return X[:, :, :Lx]


def setup_inputs(seed: int = 0):
    key = jax.random.key(seed)
    ks = jax.random.split(key, 16)
    s = 0.02
    inp = {}
    inp["h"] = jax.random.normal(ks[0], (B, M, D), jnp.float32)
    inp["h_cache"] = jax.random.normal(ks[1], (B, LCACHE, D), jnp.float32)
    inp["key_pe"] = jax.random.normal(ks[2], (1, HEAD_DIM, LCACHE), jnp.float32) * s
    inp["Wq"] = jax.random.normal(ks[3], (D, D), jnp.float32) * s
    inp["Wk"] = jax.random.normal(ks[4], (D, D), jnp.float32) * s
    inp["Wv"] = jax.random.normal(ks[5], (D, D), jnp.float32) * s
    inp["Wo"] = jax.random.normal(ks[6], (D, D), jnp.float32) * s
    inp["Wg"] = jax.random.normal(ks[7], (D, E), jnp.float32) * s
    inp["bg"] = jnp.zeros((E,), jnp.float32)
    inp["W1"] = jax.random.normal(ks[8], (E, D, DFF), jnp.float32) * s
    inp["b1"] = jnp.zeros((E, DFF), jnp.float32)
    inp["W2"] = jax.random.normal(ks[9], (E, DFF, D), jnp.float32) * s
    inp["b2"] = jnp.zeros((E, D), jnp.float32)
    inp["ln1_g"] = jnp.ones((D,), jnp.float32)
    inp["ln1_b"] = jnp.zeros((D,), jnp.float32)
    inp["lnm_g"] = jnp.ones((D,), jnp.float32)
    inp["lnm_b"] = jnp.zeros((D,), jnp.float32)
    inp["ln2_g"] = jnp.ones((D,), jnp.float32)
    inp["ln2_b"] = jnp.zeros((D,), jnp.float32)
    return inp


def _forward(h, h_cache, key_pe, Wq, Wk, Wv, Wo, Wg, bg, W1, b1, W2, b2,
             ln1_g, ln1_b, lnm_g, lnm_b, ln2_g, ln2_b):
    Bq, Mq, d = h.shape
    K, Dh = NHEADS, HEAD_DIM

    def heads(x):
        Bx, Lx, _ = x.shape
        x = x.reshape(Bx, Lx, K, Dh).transpose(0, 2, 1, 3)
        return x.reshape(Bx * K, Lx, Dh)

    # ---- MultiHeadSeqAttention ----
    h_all = jnp.concatenate([h_cache, h], axis=1)
    q = heads(h @ Wq)
    k = heads(h_all @ Wk)
    v = heads(h_all @ Wv)
    attn_cont = _unskew(jnp.matmul(q, k.transpose(0, 2, 1)))
    attn_pos = jnp.matmul(q, key_pe)  # broadcast [1, Dh, L]
    attn = (attn_cont + attn_pos) / jnp.sqrt(jnp.float32(Dh))
    attn = jax.nn.softmax(attn, axis=-1)
    attn_sk = _skew(attn)
    out = jnp.matmul(attn_sk, v)
    out = out.reshape(Bq, K, Mq, Dh).transpose(0, 2, 1, 3).reshape(Bq, Mq, d)
    out = out @ Wo
    h = _layer_norm(h + out, ln1_g, ln1_b)

    # ---- MoE positionwise FF (post-lnorm, dropout=identity in eval) ----
    x = h.reshape(-1, d)
    logits = x @ Wg + bg
    top_vals, top_idx = jax.lax.top_k(logits, TOPK)
    gate_score = jax.nn.softmax(top_vals, axis=-1)
    h1 = jax.nn.relu(jnp.einsum('td,edf->etf', x, W1) + b1[:, None, :])
    h2 = jnp.einsum('etf,efd->etd', h1, W2) + b2[:, None, :]
    combine = jnp.sum(jax.nn.one_hot(top_idx, E, dtype=x.dtype) * gate_score[..., None], axis=1)
    core = jnp.einsum('te,etd->td', combine, h2).reshape(Bq, Mq, d)
    smoe_out = _layer_norm(h + core, lnm_g, lnm_b)
    h = _layer_norm(h + smoe_out, ln2_g, ln2_b)
    return h


def reference(h, h_cache, key_pe, Wq, Wk, Wv, Wo, Wg, bg, W1, b1, W2, b2,
              ln1_g, ln1_b, lnm_g, lnm_b, ln2_g, ln2_b):
    return _forward(h, h_cache, key_pe, Wq, Wk, Wv, Wo, Wg, bg, W1, b1, W2, b2,
                    ln1_g, ln1_b, lnm_g, lnm_b, ln2_g, ln2_b)

if __name__ == "__main__":
    import jax
    _d = setup_inputs()
    print(jax.jit(kernel)(*tuple(_d.values())))

</pallas_src>

<mosaic_0001>
#map = affine_map<(d0, d1) -> (0, 0)>
#map1 = affine_map<(d0, d1) -> (0)>
module attributes {stable_mosaic.version = 14 : i64} {
  func.func @run(%arg0: i32, %arg1: i32, %arg2: memref<4096x1024xf32, #tpu.memory_space<hbm>>, %arg3: memref<2048xi32, #tpu.memory_space<hbm>>, %arg4: memref<2048x1024xf32, #tpu.memory_space<hbm>>, %arg5: memref<64xi32, #tpu.memory_space<vmem>>, %arg6: memref<64x1024xf32, #tpu.memory_space<vmem>>, %arg7: memref<!tpu.dma_semaphore, #tpu.memory_space<semaphore_mem>>) attributes {dimension_semantics = [#tpu.dimension_semantics<core_parallel>, #tpu.dimension_semantics<subcore_parallel>], iteration_bounds = array<i64: 2, 16>, scalar_prefetch = 0 : i64, scratch_operands = 3 : i64, tpu.core_type = #tpu.core_type<sc_vector_subcore>, window_params = [{transform_indices = #map}, {transform_indices = #map1}, {transform_indices = #map}]} {
    %mul3A = arith.constant 2 : i32
    %mul3A_0 = arith.muli %arg1, %mul3A : i32
    %add3A = arith.addi %mul3A_0, %arg0 : i32
    %mul3A_1 = arith.constant 64 : i32
    %mul3A_2 = arith.muli %add3A, %mul3A_1 : i32
    "tpu.region"() ({
      %run_scoped3A = tpu.sem_alloc : memref<!tpu.dma_semaphore, #tpu.memory_space<semaphore_mem>>
      %dma_start3A_7 = tpu.memref_slice %arg3[%mul3A_2] : memref<2048xi32, #tpu.memory_space<hbm>> -> memref<64xi32, #tpu.memory_space<hbm>>
      %dma_start3A_8 = tpu.memref_slice %arg3[%mul3A_2] : memref<2048xi32, #tpu.memory_space<hbm>> -> memref<64xi32, #tpu.memory_space<hbm>>
      tpu.enqueue_dma source(%dma_start3A_8 : memref<64xi32, #tpu.memory_space<hbm>>) target(%arg5 : memref<64xi32, #tpu.memory_space<vmem>>) target_semaphore(%run_scoped3A : memref<!tpu.dma_semaphore, #tpu.memory_space<semaphore_mem>>)
      %dma_wait3A_9 = tpu.memref_slice %arg3[%mul3A_2] : memref<2048xi32, #tpu.memory_space<hbm>> -> memref<64xi32, #tpu.memory_space<hbm>>
      %dma_wait3A_10 = tpu.memref_slice %arg3[%mul3A_2] : memref<2048xi32, #tpu.memory_space<hbm>> -> memref<64xi32, #tpu.memory_space<hbm>>
      tpu.wait_dma2 semaphore(%run_scoped3A : memref<!tpu.dma_semaphore, #tpu.memory_space<semaphore_mem>>) src(%dma_wait3A_10 : memref<64xi32, #tpu.memory_space<hbm>>) dst(%arg5 : memref<64xi32, #tpu.memory_space<vmem>>)
      tpu.yield
    }) : () -> ()
    %dma_start3A = arith.constant 0 : i32
    %dma_start3A_3 = arith.constant 0 : i32
    %dma_start3A_4 = tpu.memref_slice %arg2[%dma_start3A, %dma_start3A_3] : memref<4096x1024xf32, #tpu.memory_space<hbm>> -> memref<4096x1024xf32, #tpu.memory_space<hbm>>
    tpu.enqueue_indirect_dma source(%dma_start3A_4 : memref<4096x1024xf32, #tpu.memory_space<hbm>>) target(%arg6 : memref<64x1024xf32, #tpu.memory_space<vmem>>) offsets(%arg5 : memref<64xi32, #tpu.memory_space<vmem>>) semaphore(%arg7 : memref<!tpu.dma_semaphore, #tpu.memory_space<semaphore_mem>>)
    %dma_wait3A = arith.constant 0 : i32
    %dma_wait3A_5 = arith.constant 0 : i32
    %dma_wait3A_6 = tpu.memref_slice %arg2[%dma_wait3A, %dma_wait3A_5] : memref<4096x1024xf32, #tpu.memory_space<hbm>> -> memref<4096x1024xf32, #tpu.memory_space<hbm>>
    tpu.wait_indirect_dma semaphore(%arg7 : memref<!tpu.dma_semaphore, #tpu.memory_space<semaphore_mem>>) src(%dma_wait3A_6 : memref<4096x1024xf32, #tpu.memory_space<hbm>>) dst(%arg6 : memref<64x1024xf32, #tpu.memory_space<vmem>>)
    "tpu.region"() ({
      %run_scoped3A = tpu.sem_alloc : memref<!tpu.dma_semaphore, #tpu.memory_space<semaphore_mem>>
      %dma_start3A_7 = arith.constant 0 : i32
      %dma_start3A_8 = tpu.memref_slice %arg4[%mul3A_2, %dma_start3A_7] : memref<2048x1024xf32, #tpu.memory_space<hbm>> -> memref<64x1024xf32, #tpu.memory_space<hbm>>
      %dma_start3A_9 = arith.constant 0 : i32
      %dma_start3A_10 = tpu.memref_slice %arg4[%mul3A_2, %dma_start3A_9] : memref<2048x1024xf32, #tpu.memory_space<hbm>> -> memref<64x1024xf32, #tpu.memory_space<hbm>>
      tpu.enqueue_dma source(%arg6 : memref<64x1024xf32, #tpu.memory_space<vmem>>) target(%dma_start3A_10 : memref<64x1024xf32, #tpu.memory_space<hbm>>) target_semaphore(%run_scoped3A : memref<!tpu.dma_semaphore, #tpu.memory_space<semaphore_mem>>)
      %dma_wait3A_11 = arith.constant 0 : i32
      %dma_wait3A_12 = tpu.memref_slice %arg4[%mul3A_2, %dma_wait3A_11] : memref<2048x1024xf32, #tpu.memory_space<hbm>> -> memref<64x1024xf32, #tpu.memory_space<hbm>>
      %dma_wait3A_13 = arith.constant 0 : i32
      %dma_wait3A_14 = tpu.memref_slice %arg4[%mul3A_2, %dma_wait3A_13] : memref<2048x1024xf32, #tpu.memory_space<hbm>> -> memref<64x1024xf32, #tpu.memory_space<hbm>>
      tpu.wait_dma2 semaphore(%run_scoped3A : memref<!tpu.dma_semaphore, #tpu.memory_space<semaphore_mem>>) src(%arg6 : memref<64x1024xf32, #tpu.memory_space<vmem>>) dst(%dma_wait3A_14 : memref<64x1024xf32, #tpu.memory_space<hbm>>)
      tpu.yield
    }) : () -> ()
    return
  }
}

#map = affine_map<(d0, d1) -> (0, 0)>
#map1 = affine_map<(d0, d1) -> (0)>
module attributes {stable_mosaic.version = 14 : i64} {
  func.func @run(%arg0: i32, %arg1: i32, %arg2: memref<2048x1024xf32, #tpu.memory_space<hbm>>, %arg3: memref<2048xi32, #tpu.memory_space<hbm>>, %arg4: memref<4096x1024xf32, #tpu.memory_space<hbm>>, %arg5: memref<64xi32, #tpu.memory_space<vmem>>, %arg6: memref<64x1024xf32, #tpu.memory_space<vmem>>, %arg7: memref<!tpu.dma_semaphore, #tpu.memory_space<semaphore_mem>>) attributes {dimension_semantics = [#tpu.dimension_semantics<core_parallel>, #tpu.dimension_semantics<subcore_parallel>], iteration_bounds = array<i64: 2, 16>, scalar_prefetch = 0 : i64, scratch_operands = 3 : i64, tpu.core_type = #tpu.core_type<sc_vector_subcore>, window_params = [{transform_indices = #map}, {transform_indices = #map1}, {transform_indices = #map}]} {
    %mul3A = arith.constant 2 : i32
    %mul3A_0 = arith.muli %arg1, %mul3A : i32
    %add3A = arith.addi %mul3A_0, %arg0 : i32
    %mul3A_1 = arith.constant 64 : i32
    %mul3A_2 = arith.muli %add3A, %mul3A_1 : i32
    "tpu.region"() ({
      %run_scoped3A = tpu.sem_alloc : memref<!tpu.dma_semaphore, #tpu.memory_space<semaphore_mem>>
      %dma_start3A_7 = tpu.memref_slice %arg3[%mul3A_2] : memref<2048xi32, #tpu.memory_space<hbm>> -> memref<64xi32, #tpu.memory_space<hbm>>
      %dma_start3A_8 = tpu.memref_slice %arg3[%mul3A_2] : memref<2048xi32, #tpu.memory_space<hbm>> -> memref<64xi32, #tpu.memory_space<hbm>>
      tpu.enqueue_dma source(%dma_start3A_8 : memref<64xi32, #tpu.memory_space<hbm>>) target(%arg5 : memref<64xi32, #tpu.memory_space<vmem>>) target_semaphore(%run_scoped3A : memref<!tpu.dma_semaphore, #tpu.memory_space<semaphore_mem>>)
      %dma_wait3A_9 = tpu.memref_slice %arg3[%mul3A_2] : memref<2048xi32, #tpu.memory_space<hbm>> -> memref<64xi32, #tpu.memory_space<hbm>>
      %dma_wait3A_10 = tpu.memref_slice %arg3[%mul3A_2] : memref<2048xi32, #tpu.memory_space<hbm>> -> memref<64xi32, #tpu.memory_space<hbm>>
      tpu.wait_dma2 semaphore(%run_scoped3A : memref<!tpu.dma_semaphore, #tpu.memory_space<semaphore_mem>>) src(%dma_wait3A_10 : memref<64xi32, #tpu.memory_space<hbm>>) dst(%arg5 : memref<64xi32, #tpu.memory_space<vmem>>)
      tpu.yield
    }) : () -> ()
    "tpu.region"() ({
      %run_scoped3A = tpu.sem_alloc : memref<!tpu.dma_semaphore, #tpu.memory_space<semaphore_mem>>
      %dma_start3A_7 = arith.constant 0 : i32
      %dma_start3A_8 = tpu.memref_slice %arg2[%mul3A_2, %dma_start3A_7] : memref<2048x1024xf32, #tpu.memory_space<hbm>> -> memref<64x1024xf32, #tpu.memory_space<hbm>>
      %dma_start3A_9 = arith.constant 0 : i32
      %dma_start3A_10 = tpu.memref_slice %arg2[%mul3A_2, %dma_start3A_9] : memref<2048x1024xf32, #tpu.memory_space<hbm>> -> memref<64x1024xf32, #tpu.memory_space<hbm>>
      tpu.enqueue_dma source(%dma_start3A_10 : memref<64x1024xf32, #tpu.memory_space<hbm>>) target(%arg6 : memref<64x1024xf32, #tpu.memory_space<vmem>>) target_semaphore(%run_scoped3A : memref<!tpu.dma_semaphore, #tpu.memory_space<semaphore_mem>>)
      %dma_wait3A_11 = arith.constant 0 : i32
      %dma_wait3A_12 = tpu.memref_slice %arg2[%mul3A_2, %dma_wait3A_11] : memref<2048x1024xf32, #tpu.memory_space<hbm>> -> memref<64x1024xf32, #tpu.memory_space<hbm>>
      %dma_wait3A_13 = arith.constant 0 : i32
      %dma_wait3A_14 = tpu.memref_slice %arg2[%mul3A_2, %dma_wait3A_13] : memref<2048x1024xf32, #tpu.memory_space<hbm>> -> memref<64x1024xf32, #tpu.memory_space<hbm>>
      tpu.wait_dma2 semaphore(%run_scoped3A : memref<!tpu.dma_semaphore, #tpu.memory_space<semaphore_mem>>) src(%dma_wait3A_14 : memref<64x1024xf32, #tpu.memory_space<hbm>>) dst(%arg6 : memref<64x1024xf32, #tpu.memory_space<vmem>>)
      tpu.yield
    }) : () -> ()
    %dma_start3A = arith.constant 0 : i32
    %dma_start3A_3 = arith.constant 0 : i32
    %dma_start3A_4 = tpu.memref_slice %arg4[%dma_start3A, %dma_start3A_3] : memref<4096x1024xf32, #tpu.memory_space<hbm>> -> memref<4096x1024xf32, #tpu.memory_space<hbm>>
    tpu.enqueue_indirect_dma source(%arg6 : memref<64x1024xf32, #tpu.memory_space<vmem>>) target(%dma_start3A_4 : memref<4096x1024xf32, #tpu.memory_space<hbm>>) offsets(%arg5 : memref<64xi32, #tpu.memory_space<vmem>>) semaphore(%arg7 : memref<!tpu.dma_semaphore, #tpu.memory_space<semaphore_mem>>)
    %dma_wait3A = arith.constant 0 : i32
    %dma_wait3A_5 = arith.constant 0 : i32
    %dma_wait3A_6 = tpu.memref_slice %arg4[%dma_wait3A, %dma_wait3A_5] : memref<4096x1024xf32, #tpu.memory_space<hbm>> -> memref<4096x1024xf32, #tpu.memory_space<hbm>>
    tpu.wait_indirect_dma semaphore(%arg7 : memref<!tpu.dma_semaphore, #tpu.memory_space<semaphore_mem>>) src(%arg6 : memref<64x1024xf32, #tpu.memory_space<vmem>>) dst(%dma_wait3A_6 : memref<4096x1024xf32, #tpu.memory_space<hbm>>)
    return
  }
}

module attributes {stable_mosaic.version = 14 : i64} {
  func.func @_qkv_body(%arg0: i32, %arg1: memref<256x1024xf32, #tpu.memory_space<vmem>>, %arg2: memref<1024x1024xf32, #tpu.memory_space<vmem>>, %arg3: memref<1024x1024xf32, #tpu.memory_space<vmem>>, %arg4: memref<1024x1024xf32, #tpu.memory_space<vmem>>, %arg5: memref<16x256x64xf32, #tpu.memory_space<vmem>>, %arg6: memref<16x256x64xf32, #tpu.memory_space<vmem>>, %arg7: memref<16x256x64xf32, #tpu.memory_space<vmem>>) attributes {dimension_semantics = [#tpu.dimension_semantics<arbitrary>], iteration_bounds = array<i64: 12>, scalar_prefetch = 0 : i64, scratch_operands = 0 : i64, tpu.core_type = #tpu.core_type<tc>, window_params = [{transform_indices = @transform_0, window_bounds = array<i64: 256, 1024>}, {pipeline_mode = #tpu.pipeline_mode<synchronous>, transform_indices = @transform_1, window_bounds = array<i64: 1024, 1024>}, {pipeline_mode = #tpu.pipeline_mode<synchronous>, transform_indices = @transform_2, window_bounds = array<i64: 1024, 1024>}, {pipeline_mode = #tpu.pipeline_mode<synchronous>, transform_indices = @transform_3, window_bounds = array<i64: 1024, 1024>}, {transform_indices = @transform_4, window_bounds = array<i64: 16, 256, 64>}, {transform_indices = @transform_5, window_bounds = array<i64: 16, 256, 64>}, {transform_indices = @transform_6, window_bounds = array<i64: 16, 256, 64>}]} {
    %get3A = arith.constant 0 : index
    %get3A_0 = arith.constant 0 : index
    %get3A_1 = vector.load %arg1[%get3A, %get3A_0] : memref<256x1024xf32, #tpu.memory_space<vmem>>, vector<256x1024xf32>
    %get3A_2 = arith.constant 0 : index
    %get3A_3 = arith.constant 0 : index
    %get3A_4 = vector.load %arg2[%get3A_2, %get3A_3] : memref<1024x1024xf32, #tpu.memory_space<vmem>>, vector<1024x1024xf32>
    %dot_general3A = arith.constant dense<0.000000e+00> : vector<256x1024xf32>
    %dot_general3A_5 = tpu.matmul %get3A_1, %get3A_4, %dot_general3A {dimension_numbers = #tpu.dot_dimension_numbers<[1], [0], [0], [1], [0, 0, 1, 1], [], []>, transpose_lhs_hint = false} : vector<256x1024xf32>, vector<1024x1024xf32>, vector<256x1024xf32> -> vector<256x1024xf32>
    %slice3A = vector.extract_strided_slice %dot_general3A_5 {offsets = [0, 0], sizes = [256, 64], strides = [1, 1]} : vector<256x1024xf32> to vector<256x64xf32>
    %swap3A = arith.constant 0 : index
    %swap3A_6 = arith.constant 0 : index
    %swap3A_7 = arith.constant 0 : index
    %swap3A_8 = vector.load %arg5[%swap3A, %swap3A_6, %swap3A_7] : memref<16x256x64xf32, #tpu.memory_space<vmem>>, vector<1x256x64xf32>
    %swap3A_9 = vector.shape_cast %swap3A_8 : vector<1x256x64xf32> to vector<256x64xf32>
    %swap3A_10 = vector.shape_cast %slice3A : vector<256x64xf32> to vector<1x256x64xf32>
    tpu.vector_store %arg5[%swap3A, %swap3A_6, %swap3A_7], %swap3A_10 {strides = array<i32>} : memref<16x256x64xf32, #tpu.memory_space<vmem>>, vector<1x256x64xf32>,
    %slice3A_11 = vector.extract_strided_slice %dot_general3A_5 {offsets = [0, 64], sizes = [256, 64], strides = [1, 1]} : vector<256x1024xf32> to vector<256x64xf32>
    %swap3A_12 = arith.constant 1 : index
    %swap3A_13 = arith.constant 0 : index
    %swap3A_14 = arith.constant 0 : index
    %swap3A_15 = vector.load %arg5[%swap3A_12, %swap3A_13, %swap3A_14] : memref<16x256x64xf32, #tpu.memory_space<vmem>>, vector<1x256x64xf32>
    %swap3A_16 = vector.shape_cast %swap3A_15 : vector<1x256x64xf32> to vector<256x64xf32>
    %swap3A_17 = vector.shape_cast %slice3A_11 : vector<256x64xf32> to vector<1x256x64xf32>
    tpu.vector_store %arg5[%swap3A_12, %swap3A_13, %swap3A_14], %swap3A_17 {strides = array<i32>} : memref<16x256x64xf32, #tpu.memory_space<vmem>>, vector<1x256x64xf32>,
    %slice3A_18 = vector.extract_strided_slice %dot_general3A_5 {offsets = [0, 128], sizes = [256, 64], strides = [1, 1]} : vector<256x1024xf32> to vector<256x64xf32>
    %swap3A_19 = arith.constant 2 : index
    %swap3A_20 = arith.constant 0 : index
    %swap3A_21 = arith.constant 0 : index
    %swap3A_22 = vector.load %arg5[%swap3A_19, %swap3A_20, %swap3A_21] : memref<16x256x64xf32, #tpu.memory_space<vmem>>, vector<1x256x64xf32>
    %swap3A_23 = vector.shape_cast %swap3A_22 : vector<1x256x64xf32> to vector<256x64xf32>
    %swap3A_24 = vector.shape_cast %slice3A_18 : vector<256x64xf32> to vector<1x256x64xf32>
    tpu.vector_store %arg5[%swap3A_19, %swap3A_20, %swap3A_21], %swap3A_24 {strides = array<i32>} : memref<16x256x64xf32, #tpu.memory_space<vmem>>, vector<1x256x64xf32>,
    %slice3A_25 = vector.extract_strided_slice %dot_general3A_5 {offsets = [0, 192], sizes = [256, 64], strides = [1, 1]} : vector<256x1024xf32> to vector<256x64xf32>
    %swap3A_26 = arith.constant 3 : index
    %swap3A_27 = arith.constant 0 : index
    %swap3A_28 = arith.constant 0 : index
    %swap3A_29 = vector.load %arg5[%swap3A_26, %swap3A_27, %swap3A_28] : memref<16x256x64xf32, #tpu.memory_space<vmem>>, vector<1x256x64xf32>
    %swap3A_30 = vector.shape_cast %swap3A_29 : vector<1x256x64xf32> to vector<256x64xf32>
    %swap3A_31 = vector.shape_cast %slice3A_25 : vector<256x64xf32> to vector<1x256x64xf32>
    tpu.vector_store %arg5[%swap3A_26, %swap3A_27, %swap3A_28], %swap3A_31 {strides = array<i32>} : memref<16x256x64xf32, #tpu.memory_space<vmem>>, vector<1x256x64xf32>,
    %slice3A_32 = vector.extract_strided_slice %dot_general3A_5 {offsets = [0, 256], sizes = [256, 64], strides = [1, 1]} : vector<256x1024xf32> to vector<256x64xf32>
    %swap3A_33 = arith.constant 4 : index
    %swap3A_34 = arith.constant 0 : index
    %swap3A_35 = arith.constant 0 : index
    %swap3A_36 = vector.load %arg5[%swap3A_33, %swap3A_34, %swap3A_35] : memref<16x256x64xf32, #tpu.memory_space<vmem>>, vector<1x256x64xf32>
    %swap3A_37 = vector.shape_cast %swap3A_36 : vector<1x256x64xf32> to vector<256x64xf32>
    %swap3A_38 = vector.shape_cast %slice3A_32 : vector<256x64xf32> to vector<1x256x64xf32>
    tpu.vector_store %arg5[%swap3A_33, %swap3A_34, %swap3A_35], %swap3A_38 {strides = array<i32>} : memref<16x256x64xf32, #tpu.memory_space<vmem>>, vector<1x256x64xf32>,
    %slice3A_39 = vector.extract_strided_slice %dot_general3A_5 {offsets = [0, 320], sizes = [256, 64], strides = [1, 1]} : vector<256x1024xf32> to vector<256x64xf32>
    %swap3A_40 = arith.constant 5 : index
    %swap3A_41 = arith.constant 0 : index
    %swap3A_42 = arith.constant 0 : index
    %swap3A_43 = vector.load %arg5[%swap3A_40, %swap3A_41, %swap3A_42] : memref<16x256x64xf32, #tpu.memory_space<vmem>>, vector<1x256x64xf32>
    %swap3A_44 = vector.shape_cast %swap3A_43 : vector<1x256x64xf32> to vector<256x64xf32>
    %swap3A_45 = vector.shape_cast %slice3A_39 : vector<256x64xf32> to vector<1x256x64xf32>
    tpu.vector_store %arg5[%swap3A_40, %swap3A_41, %swap3A_42], %swap3A_45 {strides = array<i32>} : memref<16x256x64xf32, #tpu.memory_space<vmem>>, vector<1x256x64xf32>,
    %slice3A_46 = vector.extract_strided_slice %dot_general3A_5 {offsets = [0, 384], sizes = [256, 64], strides = [1, 1]} : vector<256x1024xf32> to vector<256x64xf32>
    %swap3A_47 = arith.constant 6 : index
    %swap3A_48 = arith.constant 0 : index
    %swap3A_49 = arith.constant 0 : index
    %swap3A_50 = vector.load %arg5[%swap3A_47, %swap3A_48, %swap3A_49] : memref<16x256x64xf32, #tpu.memory_space<vmem>>, vector<1x256x64xf32>
    %swap3A_51 = vector.shape_cast %swap3A_50 : vector<1x256x64xf32> to vector<256x64xf32>
    %swap3A_52 = vector.shape_cast %slice3A_46 : vector<256x64xf32> to vector<1x256x64xf32>
    tpu.vector_store %arg5[%swap3A_47, %swap3A_48, %swap3A_49], %swap3A_52 {strides = array<i32>} : memref<16x256x64xf32, #tpu.memory_space<vmem>>, vector<1x256x64xf32>,
    %slice3A_53 = vector.extract_strided_slice %dot_general3A_5 {offsets = [0, 448], sizes = [256, 64], strides = [1, 1]} : vector<256x1024xf32> to vector<256x64xf32>
    %swap3A_54 = arith.constant 7 : index
    %swap3A_55 = arith.constant 0 : index
    %swap3A_56 = arith.constant 0 : index
    %swap3A_57 = vector.load %arg5[%swap3A_54, %swap3A_55, %swap3A_56] : memref<16x256x64xf32, #tpu.memory_space<vmem>>, vector<1x256x64xf32>
    %swap3A_58 = vector.shape_cast %swap3A_57 : vector<1x256x64xf32> to vector<256x64xf32>
    %swap3A_59 = vector.shape_cast %slice3A_53 : vector<256x64xf32> to vector<1x256x64xf32>
    tpu.vector_store %arg5[%swap3A_54, %swap3A_55, %swap3A_56], %swap3A_59 {strides = array<i32>} : memref<16x256x64xf32, #tpu.memory_space<vmem>>, vector<1x256x64xf32>,
    %slice3A_60 = vector.extract_strided_slice %dot_general3A_5 {offsets = [0, 512], sizes = [256, 64], strides = [1, 1]} : vector<256x1024xf32> to vector<256x64xf32>
    %swap3A_61 = arith.constant 8 : index
    %swap3A_62 = arith.constant 0 : index
    %swap3A_63 = arith.constant 0 : index
    %swap3A_64 = vector.load %arg5[%swap3A_61, %swap3A_62, %swap3A_63] : memref<16x256x64xf32, #tpu.memory_space<vmem>>, vector<1x256x64xf32>
    %swap3A_65 = vector.shape_cast %swap3A_64 : vector<1x256x64xf32> to vector<256x64xf32>
    %swap3A_66 = vector.shape_cast %slice3A_60 : vector<256x64xf32> to vector<1x256x64xf32>
    tpu.vector_store %arg5[%swap3A_61, %swap3A_62, %swap3A_63], %swap3A_66 {strides = array<i32>} : memref<16x256x64xf32, #tpu.memory_space<vmem>>, vector<1x256x64xf32>,
    %slice3A_67 = vector.extract_strided_slice %dot_general3A_5 {offsets = [0, 576], sizes = [256, 64], strides = [1, 1]} : vector<256x1024xf32> to vector<256x64xf32>
    %swap3A_68 = arith.constant 9 : index
    %swap3A_69 = arith.constant 0 : index
    %swap3A_70 = arith.constant 0 : index
    %swap3A_71 = vector.load %arg5[%swap3A_68, %swap3A_69, %swap3A_70] : memref<16x256x64xf32, #tpu.memory_space<vmem>>, vector<1x256x64xf32>
    %swap3A_72 = vector.shape_cast %swap3A_71 : vector<1x256x64xf32> to vector<256x64xf32>
    %swap3A_73 = vector.shape_cast %slice3A_67 : vector<256x64xf32> to vector<1x256x64xf32>
    tpu.vector_store %arg5[%swap3A_68, %swap3A_69, %swap3A_70], %swap3A_73 {strides = array<i32>} : memref<16x256x64xf32, #tpu.memory_space<vmem>>, vector<1x256x64xf32>,
    %slice3A_74 = vector.extract_strided_slice %dot_general3A_5 {offsets = [0, 640], sizes = [256, 64], strides = [1, 1]} : vector<256x1024xf32> to vector<256x64xf32>
    %swap3A_75 = arith.constant 10 : index
    %swap3A_76 = arith.constant 0 : index
    %swap3A_77 = arith.constant 0 : index
    %swap3A_78 = vector.load %arg5[%swap3A_75, %swap3A_76, %swap3A_77] : memref<16x256x64xf32, #tpu.memory_space<vmem>>, vector<1x256x64xf32>
    %swap3A_79 = vector.shape_cast %swap3A_78 : vector<1x256x64xf32> to vector<256x64xf32>
    %swap3A_80 = vector.shape_cast %slice3A_74 : vector<256x64xf32> to vector<1x256x64xf32>
    tpu.vector_store %arg5[%swap3A_75, %swap3A_76, %swap3A_77], %swap3A_80 {strides = array<i32>} : memref<16x256x64xf32, #tpu.memory_space<vmem>>, vector<1x256x64xf32>,
    %slice3A_81 = vector.extract_strided_slice %dot_general3A_5 {offsets = [0, 704], sizes = [256, 64], strides = [1, 1]} : vector<256x1024xf32> to vector<256x64xf32>
    %swap3A_82 = arith.constant 11 : index
    %swap3A_83 = arith.constant 0 : index
    %swap3A_84 = arith.constant 0 : index
    %swap3A_85 = vector.load %arg5[%swap3A_82, %swap3A_83, %swap3A_84] : memref<16x256x64xf32, #tpu.memory_space<vmem>>, vector<1x256x64xf32>
    %swap3A_86 = vector.shape_cast %swap3A_85 : vector<1x256x64xf32> to vector<256x64xf32>
    %swap3A_87 = vector.shape_cast %slice3A_81 : vector<256x64xf32> to vector<1x256x64xf32>
    tpu.vector_store %arg5[%swap3A_82, %swap3A_83, %swap3A_84], %swap3A_87 {strides = array<i32>} : memref<16x256x64xf32, #tpu.memory_space<vmem>>, vector<1x256x64xf32>,
    %slice3A_88 = vector.extract_strided_slice %dot_general3A_5 {offsets = [0, 768], sizes = [256, 64], strides = [1, 1]} : vector<256x1024xf32> to vector<256x64xf32>
    %swap3A_89 = arith.constant 12 : index
    %swap3A_90 = arith.constant 0 : index
    %swap3A_91 = arith.constant 0 : index
    %swap3A_92 = vector.load %arg5[%swap3A_89, %swap3A_90, %swap3A_91] : memref<16x256x64xf32, #tpu.memory_space<vmem>>, vector<1x256x64xf32>
    %swap3A_93 = vector.shape_cast %swap3A_92 : vector<1x256x64xf32> to vector<256x64xf32>
    %swap3A_94 = vector.shape_cast %slice3A_88 : vector<256x64xf32> to vector<1x256x64xf32>
    tpu.vector_store %arg5[%swap3A_89, %swap3A_90, %swap3A_91], %swap3A_94 {strides = array<i32>} : memref<16x256x64xf32, #tpu.memory_space<vmem>>, vector<1x256x64xf32>,
    %slice3A_95 = vector.extract_strided_slice %dot_general3A_5 {offsets = [0, 832], sizes = [256, 64], strides = [1, 1]} : vector<256x1024xf32> to vector<256x64xf32>
    %swap3A_96 = arith.constant 13 : index
    %swap3A_97 = arith.constant 0 : index
    %swap3A_98 = arith.constant 0 : index
    %swap3A_99 = vector.load %arg5[%swap3A_96, %swap3A_97, %swap3A_98] : memref<16x256x64xf32, #tpu.memory_space<vmem>>, vector<1x256x64xf32>
    %swap3A_100 = vector.shape_cast %swap3A_99 : vector<1x256x64xf32> to vector<256x64xf32>
    %swap3A_101 = vector.shape_cast %slice3A_95 : vector<256x64xf32> to vector<1x256x64xf32>
    tpu.vector_store %arg5[%swap3A_96, %swap3A_97, %swap3A_98], %swap3A_101 {strides = array<i32>} : memref<16x256x64xf32, #tpu.memory_space<vmem>>, vector<1x256x64xf32>,
    %slice3A_102 = vector.extract_strided_slice %dot_general3A_5 {offsets = [0, 896], sizes = [256, 64], strides = [1, 1]} : vector<256x1024xf32> to vector<256x64xf32>
    %swap3A_103 = arith.constant 14 : index
    %swap3A_104 = arith.constant 0 : index
    %swap3A_105 = arith.constant 0 : index
    %swap3A_106 = vector.load %arg5[%swap3A_103, %swap3A_104, %swap3A_105] : memref<16x256x64xf32, #tpu.memory_space<vmem>>, vector<1x256x64xf32>
    %swap3A_107 = vector.shape_cast %swap3A_106 : vector<1x256x64xf32> to vector<256x64xf32>
    %swap3A_108 = vector.shape_cast %slice3A_102 : vector<256x64xf32> to vector<1x256x64xf32>
    tpu.vector_store %arg5[%swap3A_103, %swap3A_104, %swap3A_105], %swap3A_108 {strides = array<i32>} : memref<16x256x64xf32, #tpu.memory_space<vmem>>, vector<1x256x64xf32>,
    %slice3A_109 = vector.extract_strided_slice %dot_general3A_5 {offsets = [0, 960], sizes = [256, 64], strides = [1, 1]} : vector<256x1024xf32> to vector<256x64xf32>
    %swap3A_110 = arith.constant 15 : index
    %swap3A_111 = arith.constant 0 : index
    %swap3A_112 = arith.constant 0 : index
    %swap3A_113 = vector.load %arg5[%swap3A_110, %swap3A_111, %swap3A_112] : memref<16x256x64xf32, #tpu.memory_space<vmem>>, vector<1x256x64xf32>
    %swap3A_114 = vector.shape_cast %swap3A_113 : vector<1x256x64xf32> to vector<256x64xf32>
    %swap3A_115 = vector.shape_cast %slice3A_109 : vector<256x64xf32> to vector<1x256x64xf32>
    tpu.vector_store %arg5[%swap3A_110, %swap3A_111, %swap3A_112], %swap3A_115 {strides = array<i32>} : memref<16x256x64xf32, #tpu.memory_space<vmem>>, vector<1x256x64xf32>,
    %get3A_116 = arith.constant 0 : index
    %get3A_117 = arith.constant 0 : index
    %get3A_118 = vector.load %arg3[%get3A_116, %get3A_117] : memref<1024x1024xf32, #tpu.memory_space<vmem>>, vector<1024x1024xf32>
    %dot_general3A_119 = arith.constant dense<0.000000e+00> : vector<256x1024xf32>
    %dot_general3A_120 = tpu.matmul %get3A_1, %get3A_118, %dot_general3A_119 {dimension_numbers = #tpu.dot_dimension_numbers<[1], [0], [0], [1], [0, 0, 1, 1], [], []>, transpose_lhs_hint = false} : vector<256x1024xf32>, vector<1024x1024xf32>, vector<256x1024xf32> -> vector<256x1024xf32>
    %slice3A_121 = vector.extract_strided_slice %dot_general3A_120 {offsets = [0, 0], sizes = [256, 64], strides = [1, 1]} : vector<256x1024xf32> to vector<256x64xf32>
    %swap3A_122 = arith.constant 0 : index
    %swap3A_123 = arith.constant 0 : index
    %swap3A_124 = arith.constant 0 : index
    %swap3A_125 = vector.load %arg6[%swap3A_122, %swap3A_123, %swap3A_124] : memref<16x256x64xf32, #tpu.memory_space<vmem>>, vector<1x256x64xf32>
    %swap3A_126 = vector.shape_cast %swap3A_125 : vector<1x256x64xf32> to vector<256x64xf32>
    %swap3A_127 = vector.shape_cast %slice3A_121 : vector<256x64xf32> to vector<1x256x64xf32>
    tpu.vector_store %arg6[%swap3A_122, %swap3A_123, %swap3A_124], %swap3A_127 {strides = array<i32>} : memref<16x256x64xf32, #tpu.memory_space<vmem>>, vector<1x256x64xf32>,
    %slice3A_128 = vector.extract_strided_slice %dot_general3A_120 {offsets = [0, 64], sizes = [256, 64], strides = [1, 1]} : vector<256x1024xf32> to vector<256x64xf32>
    %swap3A_129 = arith.constant 1 : index
    %swap3A_130 = arith.constant 0 : index
    %swap3A_131 = arith.constant 0 : index
    %swap3A_132 = vector.load %arg6[%swap3A_129, %swap3A_130, %swap3A_131] : memref<16x256x64xf32, #tpu.memory_space<vmem>>, vector<1x256x64xf32>
    %swap3A_133 = vector.shape_cast %swap3A_132 : vector<1x256x64xf32> to vector<256x64xf32>
    %swap3A_134 = vector.shape_cast %slice3A_128 : vector<256x64xf32> to vector<1x256x64xf32>
    tpu.vector_store %arg6[%swap3A_129, %swap3A_130, %swap3A_131], %swap3A_134 {strides = array<i32>} : memref<16x256x64xf32, #tpu.memory_space<vmem>>, vector<1x256x64xf32>,
    %slice3A_135 = vector.extract_strided_slice %dot_general3A_120 {offsets = [0, 128], sizes = [256, 64], strides = [1, 1]} : vector<256x1024xf32> to vector<256x64xf32>
    %swap3A_136 = arith.constant 2 : index
    %swap3A_137 = arith.constant 0 : index
    %swap3A_138 = arith.constant 0 : index
    %swap3A_139 = vector.load %arg6[%swap3A_136, %swap3A_137, %swap3A_138] : memref<16x256x64xf32, #tpu.memory_space<vmem>>, vector<1x256x64xf32>
    %swap3A_140 = vector.shape_cast %swap3A_139 : vector<1x256x64xf32> to vector<256x64xf32>
    %swap3A_141 = vector.shape_cast %slice3A_135 : vector<256x64xf32> to vector<1x256x64xf32>
    tpu.vector_store %arg6[%swap3A_136, %swap3A_137, %swap3A_138], %swap3A_141 {strides = array<i32>} : memref<16x256x64xf32, #tpu.memory_space<vmem>>, vector<1x256x64xf32>,
    %slice3A_142 = vector.extract_strided_slice %dot_general3A_120 {offsets = [0, 192], sizes = [256, 64], strides = [1, 1]} : vector<256x1024xf32> to vector<256x64xf32>
    %swap3A_143 = arith.constant 3 : index
    %swap3A_144 = arith.constant 0 : index
    %swap3A_145 = arith.constant 0 : index
    %swap3A_146 = vector.load %arg6[%swap3A_143, %swap3A_144, %swap3A_145] : memref<16x256x64xf32, #tpu.memory_space<vmem>>, vector<1x256x64xf32>
    %swap3A_147 = vector.shape_cast %swap3A_146 : vector<1x256x64xf32> to vector<256x64xf32>
    %swap3A_148 = vector.shape_cast %slice3A_142 : vector<256x64xf32> to vector<1x256x64xf32>
    tpu.vector_store %arg6[%swap3A_143, %swap3A_144, %swap3A_145], %swap3A_148 {strides = array<i32>} : memref<16x256x64xf32, #tpu.memory_space<vmem>>, vector<1x256x64xf32>,
    %slice3A_149 = vector.extract_strided_slice %dot_general3A_120 {offsets = [0, 256], sizes = [256, 64], strides = [1, 1]} : vector<256x1024xf32> to vector<256x64xf32>
    %swap3A_150 = arith.constant 4 : index
    %swap3A_151 = arith.constant 0 : index
    %swap3A_152 = arith.constant 0 : index
    %swap3A_153 = vector.load %arg6[%swap3A_150, %swap3A_151, %swap3A_152] : memref<16x256x64xf32, #tpu.memory_space<vmem>>, vector<1x256x64xf32>
    %swap3A_154 = vector.shape_cast %swap3A_153 : vector<1x256x64xf32> to vector<256x64xf32>
    %swap3A_155 = vector.shape_cast %slice3A_149 : vector<256x64xf32> to vector<1x256x64xf32>
    tpu.vector_store %arg6[%swap3A_150, %swap3A_151, %swap3A_152], %swap3A_155 {strides = array<i32>} : memref<16x256x64xf32, #tpu.memory_space<vmem>>, vector<1x256x64xf32>,
    %slice3A_156 = vector.extract_strided_slice %dot_general3A_120 {offsets = [0, 320], sizes = [256, 64], strides = [1, 1]} : vector<256x1024xf32> to vector<256x64xf32>
    %swap3A_157 = arith.constant 5 : index
    %swap3A_158 = arith.constant 0 : index
    %swap3A_159 = arith.constant 0 : index
    %swap3A_160 = vector.load %arg6[%swap3A_157, %swap3A_158, %swap3A_159] : memref<16x256x64xf32, #tpu.memory_space<vmem>>, vector<1x256x64xf32>
    %swap3A_161 = vector.shape_cast %swap3A_160 : vector<1x256x64xf32> to vector<256x64xf32>
    %swap3A_162 = vector.shape_cast %slice3A_156 : vector<256x64xf32> to vector<1x256x64xf32>
    tpu.vector_store %arg6[%swap3A_157, %swap3A_158, %swap3A_159], %swap3A_162 {strides = array<i32>} : memref<16x256x64xf32, #tpu.memory_space<vmem>>, vector<1x256x64xf32>,
    %slice3A_163 = vector.extract_strided_slice %dot_general3A_120 {offsets = [0, 384], sizes = [256, 64], strides = [1, 1]} : vector<256x1024xf32> to vector<256x64xf32>
    %swap3A_164 = arith.constant 6 : index
    %swap3A_165 = arith.constant 0 : index
    %swap3A_166 = arith.constant 0 : index
    %swap3A_167 = vector.load %arg6[%swap3A_164, %swap3A_165, %swap3A_166] : memref<16x256x64xf32, #tpu.memory_space<vmem>>, vector<1x256x64xf32>
    %swap3A_168 = vector.shape_cast %swap3A_167 : vector<1x256x64xf32> to vector<256x64xf32>
    %swap3A_169 = vector.shape_cast %slice3A_163 : vector<256x64xf32> to vector<1x256x64xf32>
    tpu.vector_store %arg6[%swap3A_164, %swap3A_165, %swap3A_166], %swap3A_169 {strides = array<i32>} : memref<16x256x64xf32, #tpu.memory_space<vmem>>, vector<1x256x64xf32>,
    %slice3A_170 = vector.extract_strided_slice %dot_general3A_120 {offsets = [0, 448], sizes = [256, 64], strides = [1, 1]} : vector<256x1024xf32> to vector<256x64xf32>
    %swap3A_171 = arith.constant 7 : index
    %swap3A_172 = arith.constant 0 : index
    %swap3A_173 = arith.constant 0 : index
    %swap3A_174 = vector.load %arg6[%swap3A_171, %swap3A_172, %swap3A_173] : memref<16x256x64xf32, #tpu.memory_space<vmem>>, vector<1x256x64xf32>
    %swap3A_175 = vector.shape_cast %swap3A_174 : vector<1x256x64xf32> to vector<256x64xf32>
    %swap3A_176 = vector.shape_cast %slice3A_170 : vector<256x64xf32> to vector<1x256x64xf32>
    tpu.vector_store %arg6[%swap3A_171, %swap3A_172, %swap3A_173], %swap3A_176 {strides = array<i32>} : memref<16x256x64xf32, #tpu.memory_space<vmem>>, vector<1x256x64xf32>,
    %slice3A_177 = vector.extract_strided_slice %dot_general3A_120 {offsets = [0, 512], sizes = [256, 64], strides = [1, 1]} : vector<256x1024xf32> to vector<256x64xf32>
    %swap3A_178 = arith.constant 8 : index
    %swap3A_179 = arith.constant 0 : index
    %swap3A_180 = arith.constant 0 : index
    %swap3A_181 = vector.load %arg6[%swap3A_178, %swap3A_179, %swap3A_180] : memref<16x256x64xf32, #tpu.memory_space<vmem>>, vector<1x256x64xf32>
    %swap3A_182 = vector.shape_cast %swap3A_181 : vector<1x256x64xf32> to vector<256x64xf32>
    %swap3A_183 = vector.shape_cast %slice3A_177 : vector<256x64xf32> to vector<1x256x64xf32>
    tpu.vector_store %arg6[%swap3A_178, %swap3A_179, %swap3A_180], %swap3A_183 {strides = array<i32>} : memref<16x256x64xf32, #tpu.memory_space<vmem>>, vector<1x256x64xf32>,
    %slice3A_184 = vector.extract_strided_slice %dot_general3A_120 {offsets = [0, 576], sizes = [256, 64], strides = [1, 1]} : vector<256x1024xf32> to vector<256x64xf32>
    %swap3A_185 = arith.constant 9 : index
    %swap3A_186 = arith.constant 0 : index
    %swap3A_187 = arith.constant 0 : index
    %swap3A_188 = vector.load %arg6[%swap3A_185, %swap3A_186, %swap3A_187] : memref<16x256x64xf32, #tpu.memory_space<vmem>>, vector<1x256x64xf32>
    %swap3A_189 = vector.shape_cast %swap3A_188 : vector<1x256x64xf32> to vector<256x64xf32>
    %swap3A_190 = vector.shape_cast %slice3A_184 : vector<256x64xf32> to vector<1x256x64xf32>
    tpu.vector_store %arg6[%swap3A_185, %swap3A_186, %swap3A_187], %swap3A_190 {strides = array<i32>} : memref<16x256x64xf32, #tpu.memory_space<vmem>>, vector<1x256x64xf32>,
    %slice3A_191 = vector.extract_strided_slice %dot_general3A_120 {offsets = [0, 640], sizes = [256, 64], strides = [1, 1]} : vector<256x1024xf32> to vector<256x64xf32>
    %swap3A_192 = arith.constant 10 : index
    %swap3A_193 = arith.constant 0 : index
    %swap3A_194 = arith.constant 0 : index
    %swap3A_195 = vector.load %arg6[%swap3A_192, %swap3A_193, %swap3A_194] : memref<16x256x64xf32, #tpu.memory_space<vmem>>, vector<1x256x64xf32>
    %swap3A_196 = vector.shape_cast %swap3A_195 : vector<1x256x64xf32> to vector<256x64xf32>
    %swap3A_197 = vector.shape_cast %slice3A_191 : vector<256x64xf32> to vector<1x256x64xf32>
    tpu.vector_store %arg6[%swap3A_192, %swap3A_193, %swap3A_194], %swap3A_197 {strides = array<i32>} : memref<16x256x64xf32, #tpu.memory_space<vmem>>, vector<1x256x64xf32>,
    %slice3A_198 = vector.extract_strided_slice %dot_general3A_120 {offsets = [0, 704], sizes = [256, 64], strides = [1, 1]} : vector<256x1024xf32> to vector<256x64xf32>
    %swap3A_199 = arith.constant 11 : index
    %swap3A_200 = arith.constant 0 : index
    %swap3A_201 = arith.constant 0 : index
    %swap3A_202 = vector.load %arg6[%swap3A_199, %swap3A_200, %swap3A_201] : memref<16x256x64xf32, #tpu.memory_space<vmem>>, vector<1x256x64xf32>
    %swap3A_203 = vector.shape_cast %swap3A_202 : vector<1x256x64xf32> to vector<256x64xf32>
    %swap3A_204 = vector.shape_cast %slice3A_198 : vector<256x64xf32> to vector<1x256x64xf32>
    tpu.vector_store %arg6[%swap3A_199, %swap3A_200, %swap3A_201], %swap3A_204 {strides = array<i32>} : memref<16x256x64xf32, #tpu.memory_space<vmem>>, vector<1x256x64xf32>,
    %slice3A_205 = vector.extract_strided_slice %dot_general3A_120 {offsets = [0, 768], sizes = [256, 64], strides = [1, 1]} : vector<256x1024xf32> to vector<256x64xf32>
    %swap3A_206 = arith.constant 12 : index
    %swap3A_207 = arith.constant 0 : index
    %swap3A_208 = arith.constant 0 : index
    %swap3A_209 = vector.load %arg6[%swap3A_206, %swap3A_207, %swap3A_208] : memref<16x256x64xf32, #tpu.memory_space<vmem>>, vector<1x256x64xf32>
    %swap3A_210 = vector.shape_cast %swap3A_209 : vector<1x256x64xf32> to vector<256x64xf32>
    %swap3A_211 = vector.shape_cast %slice3A_205 : vector<256x64xf32> to vector<1x256x64xf32>
    tpu.vector_store %arg6[%swap3A_206, %swap3A_207, %swap3A_208], %swap3A_211 {strides = array<i32>} : memref<16x256x64xf32, #tpu.memory_space<vmem>>, vector<1x256x64xf32>,
    %slice3A_212 = vector.extract_strided_slice %dot_general3A_120 {offsets = [0, 832], sizes = [256, 64], strides = [1, 1]} : vector<256x1024xf32> to vector<256x64xf32>
    %swap3A_213 = arith.constant 13 : index
    %swap3A_214 = arith.constant 0 : index
    %swap3A_215 = arith.constant 0 : index
    %swap3A_216 = vector.load %arg6[%swap3A_213, %swap3A_214, %swap3A_215] : memref<16x256x64xf32, #tpu.memory_space<vmem>>, vector<1x256x64xf32>
    %swap3A_217 = vector.shape_cast %swap3A_216 : vector<1x256x64xf32> to vector<256x64xf32>
    %swap3A_218 = vector.shape_cast %slice3A_212 : vector<256x64xf32> to vector<1x256x64xf32>
    tpu.vector_store %arg6[%swap3A_213, %swap3A_214, %swap3A_215], %swap3A_218 {strides = array<i32>} : memref<16x256x64xf32, #tpu.memory_space<vmem>>, vector<1x256x64xf32>,
    %slice3A_219 = vector.extract_strided_slice %dot_general3A_120 {offsets = [0, 896], sizes = [256, 64], strides = [1, 1]} : vector<256x1024xf32> to vector<256x64xf32>
    %swap3A_220 = arith.constant 14 : index
    %swap3A_221 = arith.constant 0 : index
    %swap3A_222 = arith.constant 0 : index
    %swap3A_223 = vector.load %arg6[%swap3A_220, %swap3A_221, %swap3A_222] : memref<16x256x64xf32, #tpu.memory_space<vmem>>, vector<1x256x64xf32>
    %swap3A_224 = vector.shape_cast %swap3A_223 : vector<1x256x64xf32> to vector<256x64xf32>
    %swap3A_225 = vector.shape_cast %slice3A_219 : vector<256x64xf32> to vector<1x256x64xf32>
    tpu.vector_store %arg6[%swap3A_220, %swap3A_221, %swap3A_222], %swap3A_225 {strides = array<i32>} : memref<16x256x64xf32, #tpu.memory_space<vmem>>, vector<1x256x64xf32>,
    %slice3A_226 = vector.extract_strided_slice %dot_general3A_120 {offsets = [0, 960], sizes = [256, 64], strides = [1, 1]} : vector<256x1024xf32> to vector<256x64xf32>
    %swap3A_227 = arith.constant 15 : index
    %swap3A_228 = arith.constant 0 : index
    %swap3A_229 = arith.constant 0 : index
    %swap3A_230 = vector.load %arg6[%swap3A_227, %swap3A_228, %swap3A_229] : memref<16x256x64xf32, #tpu.memory_space<vmem>>, vector<1x256x64xf32>
    %swap3A_231 = vector.shape_cast %swap3A_230 : vector<1x256x64xf32> to vector<256x64xf32>
    %swap3A_232 = vector.shape_cast %slice3A_226 : vector<256x64xf32> to vector<1x256x64xf32>
    tpu.vector_store %arg6[%swap3A_227, %swap3A_228, %swap3A_229], %swap3A_232 {strides = array<i32>} : memref<16x256x64xf32, #tpu.memory_space<vmem>>, vector<1x256x64xf32>,
    %get3A_233 = arith.constant 0 : index
    %get3A_234 = arith.constant 0 : index
    %get3A_235 = vector.load %arg4[%get3A_233, %get3A_234] : memref<1024x1024xf32, #tpu.memory_space<vmem>>, vector<1024x1024xf32>
    %dot_general3A_236 = arith.constant dense<0.000000e+00> : vector<256x1024xf32>
    %dot_general3A_237 = tpu.matmul %get3A_1, %get3A_235, %dot_general3A_236 {dimension_numbers = #tpu.dot_dimension_numbers<[1], [0], [0], [1], [0, 0, 1, 1], [], []>, transpose_lhs_hint = false} : vector<256x1024xf32>, vector<1024x1024xf32>, vector<256x1024xf32> -> vector<256x1024xf32>
    %slice3A_238 = vector.extract_strided_slice %dot_general3A_237 {offsets = [0, 0], sizes = [256, 64], strides = [1, 1]} : vector<256x1024xf32> to vector<256x64xf32>
    %swap3A_239 = arith.constant 0 : index
    %swap3A_240 = arith.constant 0 : index
    %swap3A_241 = arith.constant 0 : index
    %swap3A_242 = vector.load %arg7[%swap3A_239, %swap3A_240, %swap3A_241] : memref<16x256x64xf32, #tpu.memory_space<vmem>>, vector<1x256x64xf32>
    %swap3A_243 = vector.shape_cast %swap3A_242 : vector<1x256x64xf32> to vector<256x64xf32>
    %swap3A_244 = vector.shape_cast %slice3A_238 : vector<256x64xf32> to vector<1x256x64xf32>
    tpu.vector_store %arg7[%swap3A_239, %swap3A_240, %swap3A_241], %swap3A_244 {strides = array<i32>} : memref<16x256x64xf32, #tpu.memory_space<vmem>>, vector<1x256x64xf32>,
    %slice3A_245 = vector.extract_strided_slice %dot_general3A_237 {offsets = [0, 64], sizes = [256, 64], strides = [1, 1]} : vector<256x1024xf32> to vector<256x64xf32>
    %swap3A_246 = arith.constant 1 : index
    %swap3A_247 = arith.constant 0 : index
    %swap3A_248 = arith.constant 0 : index
    %swap3A_249 = vector.load %arg7[%swap3A_246, %swap3A_247, %swap3A_248] : memref<16x256x64xf32, #tpu.memory_space<vmem>>, vector<1x256x64xf32>
    %swap3A_250 = vector.shape_cast %swap3A_249 : vector<1x256x64xf32> to vector<256x64xf32>
    %swap3A_251 = vector.shape_cast %slice3A_245 : vector<256x64xf32> to vector<1x256x64xf32>
    tpu.vector_store %arg7[%swap3A_246, %swap3A_247, %swap3A_248], %swap3A_251 {strides = array<i32>} : memref<16x256x64xf32, #tpu.memory_space<vmem>>, vector<1x256x64xf32>,
    %slice3A_252 = vector.extract_strided_slice %dot_general3A_237 {offsets = [0, 128], sizes = [256, 64], strides = [1, 1]} : vector<256x1024xf32> to vector<256x64xf32>
    %swap3A_253 = arith.constant 2 : index
    %swap3A_254 = arith.constant 0 : index
    %swap3A_255 = arith.constant 0 : index
    %swap3A_256 = vector.load %arg7[%swap3A_253, %swap3A_254, %swap3A_255] : memref<16x256x64xf32, #tpu.memory_space<vmem>>, vector<1x256x64xf32>
    %swap3A_257 = vector.shape_cast %swap3A_256 : vector<1x256x64xf32> to vector<256x64xf32>
    %swap3A_258 = vector.shape_cast %slice3A_252 : vector<256x64xf32> to vector<1x256x64xf32>
    tpu.vector_store %arg7[%swap3A_253, %swap3A_254, %swap3A_255], %swap3A_258 {strides = array<i32>} : memref<16x256x64xf32, #tpu.memory_space<vmem>>, vector<1x256x64xf32>,
    %slice3A_259 = vector.extract_strided_slice %dot_general3A_237 {offsets = [0, 192], sizes = [256, 64], strides = [1, 1]} : vector<256x1024xf32> to vector<256x64xf32>
    %swap3A_260 = arith.constant 3 : index
    %swap3A_261 = arith.constant 0 : index
    %swap3A_262 = arith.constant 0 : index
    %swap3A_263 = vector.load %arg7[%swap3A_260, %swap3A_261, %swap3A_262] : memref<16x256x64xf32, #tpu.memory_space<vmem>>, vector<1x256x64xf32>
    %swap3A_264 = vector.shape_cast %swap3A_263 : vector<1x256x64xf32> to vector<256x64xf32>
    %swap3A_265 = vector.shape_cast %slice3A_259 : vector<256x64xf32> to vector<1x256x64xf32>
    tpu.vector_store %arg7[%swap3A_260, %swap3A_261, %swap3A_262], %swap3A_265 {strides = array<i32>} : memref<16x256x64xf32, #tpu.memory_space<vmem>>, vector<1x256x64xf32>,
    %slice3A_266 = vector.extract_strided_slice %dot_general3A_237 {offsets = [0, 256], sizes = [256, 64], strides = [1, 1]} : vector<256x1024xf32> to vector<256x64xf32>
    %swap3A_267 = arith.constant 4 : index
    %swap3A_268 = arith.constant 0 : index
    %swap3A_269 = arith.constant 0 : index
    %swap3A_270 = vector.load %arg7[%swap3A_267, %swap3A_268, %swap3A_269] : memref<16x256x64xf32, #tpu.memory_space<vmem>>, vector<1x256x64xf32>
    %swap3A_271 = vector.shape_cast %swap3A_270 : vector<1x256x64xf32> to vector<256x64xf32>
    %swap3A_272 = vector.shape_cast %slice3A_266 : vector<256x64xf32> to vector<1x256x64xf32>
    tpu.vector_store %arg7[%swap3A_267, %swap3A_268, %swap3A_269], %swap3A_272 {strides = array<i32>} : memref<16x256x64xf32, #tpu.memory_space<vmem>>, vector<1x256x64xf32>,
    %slice3A_273 = vector.extract_strided_slice %dot_general3A_237 {offsets = [0, 320], sizes = [256, 64], strides = [1, 1]} : vector<256x1024xf32> to vector<256x64xf32>
    %swap3A_274 = arith.constant 5 : index
    %swap3A_275 = arith.constant 0 : index
    %swap3A_276 = arith.constant 0 : index
    %swap3A_277 = vector.load %arg7[%swap3A_274, %swap3A_275, %swap3A_276] : memref<16x256x64xf32, #tpu.memory_space<vmem>>, vector<1x256x64xf32>
    %swap3A_278 = vector.shape_cast %swap3A_277 : vector<1x256x64xf32> to vector<256x64xf32>
    %swap3A_279 = vector.shape_cast %slice3A_273 : vector<256x64xf32> to vector<1x256x64xf32>
    tpu.vector_store %arg7[%swap3A_274, %swap3A_275, %swap3A_276], %swap3A_279 {strides = array<i32>} : memref<16x256x64xf32, #tpu.memory_space<vmem>>, vector<1x256x64xf32>,
    %slice3A_280 = vector.extract_strided_slice %dot_general3A_237 {offsets = [0, 384], sizes = [256, 64], strides = [1, 1]} : vector<256x1024xf32> to vector<256x64xf32>
    %swap3A_281 = arith.constant 6 : index
    %swap3A_282 = arith.constant 0 : index
    %swap3A_283 = arith.constant 0 : index
    %swap3A_284 = vector.load %arg7[%swap3A_281, %swap3A_282, %swap3A_283] : memref<16x256x64xf32, #tpu.memory_space<vmem>>, vector<1x256x64xf32>
    %swap3A_285 = vector.shape_cast %swap3A_284 : vector<1x256x64xf32> to vector<256x64xf32>
    %swap3A_286 = vector.shape_cast %slice3A_280 : vector<256x64xf32> to vector<1x256x64xf32>
    tpu.vector_store %arg7[%swap3A_281, %swap3A_282, %swap3A_283], %swap3A_286 {strides = array<i32>} : memref<16x256x64xf32, #tpu.memory_space<vmem>>, vector<1x256x64xf32>,
    %slice3A_287 = vector.extract_strided_slice %dot_general3A_237 {offsets = [0, 448], sizes = [256, 64], strides = [1, 1]} : vector<256x1024xf32> to vector<256x64xf32>
    %swap3A_288 = arith.constant 7 : index
    %swap3A_289 = arith.constant 0 : index
    %swap3A_290 = arith.constant 0 : index
    %swap3A_291 = vector.load %arg7[%swap3A_288, %swap3A_289, %swap3A_290] : memref<16x256x64xf32, #tpu.memory_space<vmem>>, vector<1x256x64xf32>
    %swap3A_292 = vector.shape_cast %swap3A_291 : vector<1x256x64xf32> to vector<256x64xf32>
    %swap3A_293 = vector.shape_cast %slice3A_287 : vector<256x64xf32> to vector<1x256x64xf32>
    tpu.vector_store %arg7[%swap3A_288, %swap3A_289, %swap3A_290], %swap3A_293 {strides = array<i32>} : memref<16x256x64xf32, #tpu.memory_space<vmem>>, vector<1x256x64xf32>,
    %slice3A_294 = vector.extract_strided_slice %dot_general3A_237 {offsets = [0, 512], sizes = [256, 64], strides = [1, 1]} : vector<256x1024xf32> to vector<256x64xf32>
    %swap3A_295 = arith.constant 8 : index
    %swap3A_296 = arith.constant 0 : index
    %swap3A_297 = arith.constant 0 : index
    %swap3A_298 = vector.load %arg7[%swap3A_295, %swap3A_296, %swap3A_297] : memref<16x256x64xf32, #tpu.memory_space<vmem>>, vector<1x256x64xf32>
    %swap3A_299 = vector.shape_cast %swap3A_298 : vector<1x256x64xf32> to vector<256x64xf32>
    %swap3A_300 = vector.shape_cast %slice3A_294 : vector<256x64xf32> to vector<1x256x64xf32>
    tpu.vector_store %arg7[%swap3A_295, %swap3A_296, %swap3A_297], %swap3A_300 {strides = array<i32>} : memref<16x256x64xf32, #tpu.memory_space<vmem>>, vector<1x256x64xf32>,
    %slice3A_301 = vector.extract_strided_slice %dot_general3A_237 {offsets = [0, 576], sizes = [256, 64], strides = [1, 1]} : vector<256x1024xf32> to vector<256x64xf32>
    %swap3A_302 = arith.constant 9 : index
    %swap3A_303 = arith.constant 0 : index
    %swap3A_304 = arith.constant 0 : index
    %swap3A_305 = vector.load %arg7[%swap3A_302, %swap3A_303, %swap3A_304] : memref<16x256x64xf32, #tpu.memory_space<vmem>>, vector<1x256x64xf32>
    %swap3A_306 = vector.shape_cast %swap3A_305 : vector<1x256x64xf32> to vector<256x64xf32>
    %swap3A_307 = vector.shape_cast %slice3A_301 : vector<256x64xf32> to vector<1x256x64xf32>
    tpu.vector_store %arg7[%swap3A_302, %swap3A_303, %swap3A_304], %swap3A_307 {strides = array<i32>} : memref<16x256x64xf32, #tpu.memory_space<vmem>>, vector<1x256x64xf32>,
    %slice3A_308 = vector.extract_strided_slice %dot_general3A_237 {offsets = [0, 640], sizes = [256, 64], strides = [1, 1]} : vector<256x1024xf32> to vector<256x64xf32>
    %swap3A_309 = arith.constant 10 : index
    %swap3A_310 = arith.constant 0 : index
    %swap3A_311 = arith.constant 0 : index
    %swap3A_312 = vector.load %arg7[%swap3A_309, %swap3A_310, %swap3A_311] : memref<16x256x64xf32, #tpu.memory_space<vmem>>, vector<1x256x64xf32>
    %swap3A_313 = vector.shape_cast %swap3A_312 : vector<1x256x64xf32> to vector<256x64xf32>
    %swap3A_314 = vector.shape_cast %slice3A_308 : vector<256x64xf32> to vector<1x256x64xf32>
    tpu.vector_store %arg7[%swap3A_309, %swap3A_310, %swap3A_311], %swap3A_314 {strides = array<i32>} : memref<16x256x64xf32, #tpu.memory_space<vmem>>, vector<1x256x64xf32>,
    %slice3A_315 = vector.extract_strided_slice %dot_general3A_237 {offsets = [0, 704], sizes = [256, 64], strides = [1, 1]} : vector<256x1024xf32> to vector<256x64xf32>
    %swap3A_316 = arith.constant 11 : index
    %swap3A_317 = arith.constant 0 : index
    %swap3A_318 = arith.constant 0 : index
    %swap3A_319 = vector.load %arg7[%swap3A_316, %swap3A_317, %swap3A_318] : memref<16x256x64xf32, #tpu.memory_space<vmem>>, vector<1x256x64xf32>
    %swap3A_320 = vector.shape_cast %swap3A_319 : vector<1x256x64xf32> to vector<256x64xf32>
    %swap3A_321 = vector.shape_cast %slice3A_315 : vector<256x64xf32> to vector<1x256x64xf32>
    tpu.vector_store %arg7[%swap3A_316, %swap3A_317, %swap3A_318], %swap3A_321 {strides = array<i32>} : memref<16x256x64xf32, #tpu.memory_space<vmem>>, vector<1x256x64xf32>,
    %slice3A_322 = vector.extract_strided_slice %dot_general3A_237 {offsets = [0, 768], sizes = [256, 64], strides = [1, 1]} : vector<256x1024xf32> to vector<256x64xf32>
    %swap3A_323 = arith.constant 12 : index
    %swap3A_324 = arith.constant 0 : index
    %swap3A_325 = arith.constant 0 : index
    %swap3A_326 = vector.load %arg7[%swap3A_323, %swap3A_324, %swap3A_325] : memref<16x256x64xf32, #tpu.memory_space<vmem>>, vector<1x256x64xf32>
    %swap3A_327 = vector.shape_cast %swap3A_326 : vector<1x256x64xf32> to vector<256x64xf32>
    %swap3A_328 = vector.shape_cast %slice3A_322 : vector<256x64xf32> to vector<1x256x64xf32>
    tpu.vector_store %arg7[%swap3A_323, %swap3A_324, %swap3A_325], %swap3A_328 {strides = array<i32>} : memref<16x256x64xf32, #tpu.memory_space<vmem>>, vector<1x256x64xf32>,
    %slice3A_329 = vector.extract_strided_slice %dot_general3A_237 {offsets = [0, 832], sizes = [256, 64], strides = [1, 1]} : vector<256x1024xf32> to vector<256x64xf32>
    %swap3A_330 = arith.constant 13 : index
    %swap3A_331 = arith.constant 0 : index
    %swap3A_332 = arith.constant 0 : index
    %swap3A_333 = vector.load %arg7[%swap3A_330, %swap3A_331, %swap3A_332] : memref<16x256x64xf32, #tpu.memory_space<vmem>>, vector<1x256x64xf32>
    %swap3A_334 = vector.shape_cast %swap3A_333 : vector<1x256x64xf32> to vector<256x64xf32>
    %swap3A_335 = vector.shape_cast %slice3A_329 : vector<256x64xf32> to vector<1x256x64xf32>
    tpu.vector_store %arg7[%swap3A_330, %swap3A_331, %swap3A_332], %swap3A_335 {strides = array<i32>} : memref<16x256x64xf32, #tpu.memory_space<vmem>>, vector<1x256x64xf32>,
    %slice3A_336 = vector.extract_strided_slice %dot_general3A_237 {offsets = [0, 896], sizes = [256, 64], strides = [1, 1]} : vector<256x1024xf32> to vector<256x64xf32>
    %swap3A_337 = arith.constant 14 : index
    %swap3A_338 = arith.constant 0 : index
    %swap3A_339 = arith.constant 0 : index
    %swap3A_340 = vector.load %arg7[%swap3A_337, %swap3A_338, %swap3A_339] : memref<16x256x64xf32, #tpu.memory_space<vmem>>, vector<1x256x64xf32>
    %swap3A_341 = vector.shape_cast %swap3A_340 : vector<1x256x64xf32> to vector<256x64xf32>
    %swap3A_342 = vector.shape_cast %slice3A_336 : vector<256x64xf32> to vector<1x256x64xf32>
    tpu.vector_store %arg7[%swap3A_337, %swap3A_338, %swap3A_339], %swap3A_342 {strides = array<i32>} : memref<16x256x64xf32, #tpu.memory_space<vmem>>, vector<1x256x64xf32>,
    %slice3A_343 = vector.extract_strided_slice %dot_general3A_237 {offsets = [0, 960], sizes = [256, 64], strides = [1, 1]} : vector<256x1024xf32> to vector<256x64xf32>
    %swap3A_344 = arith.constant 15 : index
    %swap3A_345 = arith.constant 0 : index
    %swap3A_346 = arith.constant 0 : index
    %swap3A_347 = vector.load %arg7[%swap3A_344, %swap3A_345, %swap3A_346] : memref<16x256x64xf32, #tpu.memory_space<vmem>>, vector<1x256x64xf32>
    %swap3A_348 = vector.shape_cast %swap3A_347 : vector<1x256x64xf32> to vector<256x64xf32>
    %swap3A_349 = vector.shape_cast %slice3A_343 : vector<256x64xf32> to vector<1x256x64xf32>
    tpu.vector_store %arg7[%swap3A_344, %swap3A_345, %swap3A_346], %swap3A_349 {strides = array<i32>} : memref<16x256x64xf32, #tpu.memory_space<vmem>>, vector<1x256x64xf32>,
    return
  }
  func.func @transform_0(%arg0: i32) -> (i32, i32) {
    %c0_i32 = arith.constant 0 : i32
    %c0_i32_0 = arith.constant 0 : i32
    return %arg0, %c0_i32 : i32, i32
  }
  func.func @transform_1(%arg0: i32) -> (i32, i32) {
    %c0_i32 = arith.constant 0 : i32
    %c0_i32_0 = arith.constant 0 : i32
    %c0_i32_1 = arith.constant 0 : i32
    return %c0_i32, %c0_i32_0 : i32, i32
  }
  func.func @transform_2(%arg0: i32) -> (i32, i32) {
    %c0_i32 = arith.constant 0 : i32
    %c0_i32_0 = arith.constant 0 : i32
    %c0_i32_1 = arith.constant 0 : i32
    return %c0_i32, %c0_i32_0 : i32, i32
  }
  func.func @transform_3(%arg0: i32) -> (i32, i32) {
    %c0_i32 = arith.constant 0 : i32
    %c0_i32_0 = arith.constant 0 : i32
    %c0_i32_1 = arith.constant 0 : i32
    return %c0_i32, %c0_i32_0 : i32, i32
  }
  func.func @transform_4(%arg0: i32) -> (i32, i32, i32) {
    %c0_i32 = arith.constant 0 : i32
    %c0_i32_0 = arith.constant 0 : i32
    %c0_i32_1 = arith.constant 0 : i32
    return %c0_i32, %arg0, %c0_i32_0 : i32, i32, i32
  }
  func.func @transform_5(%arg0: i32) -> (i32, i32, i32) {
    %c0_i32 = arith.constant 0 : i32
    %c0_i32_0 = arith.constant 0 : i32
    %c0_i32_1 = arith.constant 0 : i32
    return %c0_i32, %arg0, %c0_i32_0 : i32, i32, i32
  }
  func.func @transform_6(%arg0: i32) -> (i32, i32, i32) {
    %c0_i32 = arith.constant 0 : i32
    %c0_i32_0 = arith.constant 0 : i32
    %c0_i32_1 = arith.constant 0 : i32
    return %c0_i32, %arg0, %c0_i32_0 : i32, i32, i32
  }
}

module attributes {stable_mosaic.version = 14 : i64} {
  func.func @_attn_body(%arg0: i32, %arg1: i32, %arg2: memref<1x256x64xf32, #tpu.memory_space<vmem>>, %arg3: memref<1x3072x64xf32, #tpu.memory_space<vmem>>, %arg4: memref<1x3072x64xf32, #tpu.memory_space<vmem>>, %arg5: memref<64x1024xf32, #tpu.memory_space<vmem>>, %arg6: memref<1x256x64xf32, #tpu.memory_space<vmem>>) attributes {dimension_semantics = [#tpu.dimension_semantics<arbitrary>, #tpu.dimension_semantics<arbitrary>], iteration_bounds = array<i64: 16, 8>, scalar_prefetch = 0 : i64, scratch_operands = 0 : i64, tpu.core_type = #tpu.core_type<tc>, window_params = [{transform_indices = @transform_0, window_bounds = array<i64: 1, 256, 64>}, {transform_indices = @transform_1, window_bounds = array<i64: 1, 3072, 64>}, {transform_indices = @transform_2, window_bounds = array<i64: 1, 3072, 64>}, {pipeline_mode = #tpu.pipeline_mode<synchronous>, transform_indices = @transform_3, window_bounds = array<i64: 64, 1024>}, {transform_indices = @transform_4, window_bounds = array<i64: 1, 256, 64>}]} {
    %get3A = arith.constant 0 : index
    %get3A_0 = arith.constant 0 : index
    %get3A_1 = arith.constant 0 : index
    %get3A_2 = vector.load %arg2[%get3A, %get3A_0, %get3A_1] : memref<1x256x64xf32, #tpu.memory_space<vmem>>, vector<1x256x64xf32>
    %get3A_3 = vector.shape_cast %get3A_2 : vector<1x256x64xf32> to vector<256x64xf32>
    %mul3A = arith.constant 1.250000e-01 : f32
    %mul3A_4 = vector.broadcast %mul3A : f32 to vector<256x64xf32>
    %mul3A_5 = arith.mulf %get3A_3, %mul3A_4 : vector<256x64xf32>
    %get3A_6 = arith.constant 0 : index
    %get3A_7 = arith.constant 0 : index
    %get3A_8 = vector.load %arg5[%get3A_6, %get3A_7] : memref<64x1024xf32, #tpu.memory_space<vmem>>, vector<64x1024xf32>
    %dot_general3A = arith.constant dense<0.000000e+00> : vector<256x1024xf32>
    %dot_general3A_9 = tpu.matmul %mul3A_5, %get3A_8, %dot_general3A {dimension_numbers = #tpu.dot_dimension_numbers<[1], [0], [0], [1], [0, 0, 1, 1], [], []>, transpose_lhs_hint = false} : vector<256x64xf32>, vector<64x1024xf32>, vector<256x1024xf32> -> vector<256x1024xf32>
    %iota3A = tpu.iota {dimensions = array<i32: 0>} : vector<256x1024xi32>
    %slice3A = vector.extract_strided_slice %dot_general3A_9 {offsets = [0, 1023], sizes = [256, 1], strides = [1, 1]} : vector<256x1024xf32> to vector<256x1xf32>
    %slice3A_10 = vector.extract_strided_slice %dot_general3A_9 {offsets = [0, 0], sizes = [256, 1023], strides = [1, 1]} : vector<256x1024xf32> to vector<256x1023xf32>
    %concatenate3A = tpu.concatenate %slice3A, %slice3A_10 in 1 : vector<256x1xf32>, vector<256x1023xf32> -> vector<256x1024xf32>
    %and3A = arith.constant 1 : i32
    %and3A_11 = vector.broadcast %and3A : i32 to vector<256x1024xi32>
    %and3A_12 = arith.andi %iota3A, %and3A_11 : vector<256x1024xi32>
    %ne3A = arith.constant 0 : i32
    %ne3A_13 = vector.broadcast %ne3A : i32 to vector<256x1024xi32>
    %ne3A_14 = arith.cmpi ne, %and3A_12, %ne3A_13 : vector<256x1024xi32>
    %select_n3A = arith.select %ne3A_14, %concatenate3A, %dot_general3A_9 : vector<256x1024xi1>, vector<256x1024xf32>
    %slice3A_15 = vector.extract_strided_slice %select_n3A {offsets = [0, 1022], sizes = [256, 2], strides = [1, 1]} : vector<256x1024xf32> to vector<256x2xf32>
    %slice3A_16 = vector.extract_strided_slice %select_n3A {offsets = [0, 0], sizes = [256, 1022], strides = [1, 1]} : vector<256x1024xf32> to vector<256x1022xf32>
    %concatenate3A_17 = tpu.concatenate %slice3A_15, %slice3A_16 in 1 : vector<256x2xf32>, vector<256x1022xf32> -> vector<256x1024xf32>
    %and3A_18 = arith.constant 2 : i32
    %and3A_19 = vector.broadcast %and3A_18 : i32 to vector<256x1024xi32>
    %and3A_20 = arith.andi %iota3A, %and3A_19 : vector<256x1024xi32>
    %ne3A_21 = arith.constant 0 : i32
    %ne3A_22 = vector.broadcast %ne3A_21 : i32 to vector<256x1024xi32>
    %ne3A_23 = arith.cmpi ne, %and3A_20, %ne3A_22 : vector<256x1024xi32>
    %select_n3A_24 = arith.select %ne3A_23, %concatenate3A_17, %select_n3A : vector<256x1024xi1>, vector<256x1024xf32>
    %slice3A_25 = vector.extract_strided_slice %select_n3A_24 {offsets = [0, 1020], sizes = [256, 4], strides = [1, 1]} : vector<256x1024xf32> to vector<256x4xf32>
    %slice3A_26 = vector.extract_strided_slice %select_n3A_24 {offsets = [0, 0], sizes = [256, 1020], strides = [1, 1]} : vector<256x1024xf32> to vector<256x1020xf32>
    %concatenate3A_27 = tpu.concatenate %slice3A_25, %slice3A_26 in 1 : vector<256x4xf32>, vector<256x1020xf32> -> vector<256x1024xf32>
    %and3A_28 = arith.constant 4 : i32
    %and3A_29 = vector.broadcast %and3A_28 : i32 to vector<256x1024xi32>
    %and3A_30 = arith.andi %iota3A, %and3A_29 : vector<256x1024xi32>
    %ne3A_31 = arith.constant 0 : i32
    %ne3A_32 = vector.broadcast %ne3A_31 : i32 to vector<256x1024xi32>
    %ne3A_33 = arith.cmpi ne, %and3A_30, %ne3A_32 : vector<256x1024xi32>
    %select_n3A_34 = arith.select %ne3A_33, %concatenate3A_27, %select_n3A_24 : vector<256x1024xi1>, vector<256x1024xf32>
    %slice3A_35 = vector.extract_strided_slice %select_n3A_34 {offsets = [0, 1016], sizes = [256, 8], strides = [1, 1]} : vector<256x1024xf32> to vector<256x8xf32>
    %slice3A_36 = vector.extract_strided_slice %select_n3A_34 {offsets = [0, 0], sizes = [256, 1016], strides = [1, 1]} : vector<256x1024xf32> to vector<256x1016xf32>
    %concatenate3A_37 = tpu.concatenate %slice3A_35, %slice3A_36 in 1 : vector<256x8xf32>, vector<256x1016xf32> -> vector<256x1024xf32>
    %and3A_38 = arith.constant 8 : i32
    %and3A_39 = vector.broadcast %and3A_38 : i32 to vector<256x1024xi32>
    %and3A_40 = arith.andi %iota3A, %and3A_39 : vector<256x1024xi32>
    %ne3A_41 = arith.constant 0 : i32
    %ne3A_42 = vector.broadcast %ne3A_41 : i32 to vector<256x1024xi32>
    %ne3A_43 = arith.cmpi ne, %and3A_40, %ne3A_42 : vector<256x1024xi32>
    %select_n3A_44 = arith.select %ne3A_43, %concatenate3A_37, %select_n3A_34 : vector<256x1024xi1>, vector<256x1024xf32>
    %slice3A_45 = vector.extract_strided_slice %select_n3A_44 {offsets = [0, 1008], sizes = [256, 16], strides = [1, 1]} : vector<256x1024xf32> to vector<256x16xf32>
    %slice3A_46 = vector.extract_strided_slice %select_n3A_44 {offsets = [0, 0], sizes = [256, 1008], strides = [1, 1]} : vector<256x1024xf32> to vector<256x1008xf32>
    %concatenate3A_47 = tpu.concatenate %slice3A_45, %slice3A_46 in 1 : vector<256x16xf32>, vector<256x1008xf32> -> vector<256x1024xf32>
    %and3A_48 = arith.constant 16 : i32
    %and3A_49 = vector.broadcast %and3A_48 : i32 to vector<256x1024xi32>
    %and3A_50 = arith.andi %iota3A, %and3A_49 : vector<256x1024xi32>
    %ne3A_51 = arith.constant 0 : i32
    %ne3A_52 = vector.broadcast %ne3A_51 : i32 to vector<256x1024xi32>
    %ne3A_53 = arith.cmpi ne, %and3A_50, %ne3A_52 : vector<256x1024xi32>
    %select_n3A_54 = arith.select %ne3A_53, %concatenate3A_47, %select_n3A_44 : vector<256x1024xi1>, vector<256x1024xf32>
    %slice3A_55 = vector.extract_strided_slice %select_n3A_54 {offsets = [0, 992], sizes = [256, 32], strides = [1, 1]} : vector<256x1024xf32> to vector<256x32xf32>
    %slice3A_56 = vector.extract_strided_slice %select_n3A_54 {offsets = [0, 0], sizes = [256, 992], strides = [1, 1]} : vector<256x1024xf32> to vector<256x992xf32>
    %concatenate3A_57 = tpu.concatenate %slice3A_55, %slice3A_56 in 1 : vector<256x32xf32>, vector<256x992xf32> -> vector<256x1024xf32>
    %and3A_58 = arith.constant 32 : i32
    %and3A_59 = vector.broadcast %and3A_58 : i32 to vector<256x1024xi32>
    %and3A_60 = arith.andi %iota3A, %and3A_59 : vector<256x1024xi32>
    %ne3A_61 = arith.constant 0 : i32
    %ne3A_62 = vector.broadcast %ne3A_61 : i32 to vector<256x1024xi32>
    %ne3A_63 = arith.cmpi ne, %and3A_60, %ne3A_62 : vector<256x1024xi32>
    %select_n3A_64 = arith.select %ne3A_63, %concatenate3A_57, %select_n3A_54 : vector<256x1024xi1>, vector<256x1024xf32>
    %slice3A_65 = vector.extract_strided_slice %select_n3A_64 {offsets = [0, 960], sizes = [256, 64], strides = [1, 1]} : vector<256x1024xf32> to vector<256x64xf32>
    %slice3A_66 = vector.extract_strided_slice %select_n3A_64 {offsets = [0, 0], sizes = [256, 960], strides = [1, 1]} : vector<256x1024xf32> to vector<256x960xf32>
    %concatenate3A_67 = tpu.concatenate %slice3A_65, %slice3A_66 in 1 : vector<256x64xf32>, vector<256x960xf32> -> vector<256x1024xf32>
    %and3A_68 = arith.constant 64 : i32
    %and3A_69 = vector.broadcast %and3A_68 : i32 to vector<256x1024xi32>
    %and3A_70 = arith.andi %iota3A, %and3A_69 : vector<256x1024xi32>
    %ne3A_71 = arith.constant 0 : i32
    %ne3A_72 = vector.broadcast %ne3A_71 : i32 to vector<256x1024xi32>
    %ne3A_73 = arith.cmpi ne, %and3A_70, %ne3A_72 : vector<256x1024xi32>
    %select_n3A_74 = arith.select %ne3A_73, %concatenate3A_67, %select_n3A_64 : vector<256x1024xi1>, vector<256x1024xf32>
    %slice3A_75 = vector.extract_strided_slice %select_n3A_74 {offsets = [0, 896], sizes = [256, 128], strides = [1, 1]} : vector<256x1024xf32> to vector<256x128xf32>
    %slice3A_76 = vector.extract_strided_slice %select_n3A_74 {offsets = [0, 0], sizes = [256, 896], strides = [1, 1]} : vector<256x1024xf32> to vector<256x896xf32>
    %concatenate3A_77 = tpu.concatenate %slice3A_75, %slice3A_76 in 1 : vector<256x128xf32>, vector<256x896xf32> -> vector<256x1024xf32>
    %and3A_78 = arith.constant 128 : i32
    %and3A_79 = vector.broadcast %and3A_78 : i32 to vector<256x1024xi32>
    %and3A_80 = arith.andi %iota3A, %and3A_79 : vector<256x1024xi32>
    %ne3A_81 = arith.constant 0 : i32
    %ne3A_82 = vector.broadcast %ne3A_81 : i32 to vector<256x1024xi32>
    %ne3A_83 = arith.cmpi ne, %and3A_80, %ne3A_82 : vector<256x1024xi32>
    %select_n3A_84 = arith.select %ne3A_83, %concatenate3A_77, %select_n3A_74 : vector<256x1024xi1>, vector<256x1024xf32>
    %slice3A_85 = vector.extract_strided_slice %select_n3A_84 {offsets = [0, 0], sizes = [256, 256], strides = [1, 1]} : vector<256x1024xf32> to vector<256x256xf32>
    %concatenate3A_86 = tpu.concatenate %select_n3A_84, %slice3A_85 in 1 : vector<256x1024xf32>, vector<256x256xf32> -> vector<256x1280xf32>
    %mul3A_87 = arith.constant 256 : i32
    %mul3A_88 = arith.muli %arg1, %mul3A_87 : i32
    %get3A_89 = arith.constant 0 : index
    %get3A_90 = arith.index_cast %mul3A_88 : i32 to index
    %get3A_91 = arith.constant 0 : index
    %get3A_92 = vector.load %arg3[%get3A_89, %get3A_90, %get3A_91] : memref<1x3072x64xf32, #tpu.memory_space<vmem>>, vector<1x1280x64xf32>
    %get3A_93 = vector.shape_cast %get3A_92 : vector<1x1280x64xf32> to vector<1280x64xf32>
    %mul3A_94 = arith.constant 256 : i32
    %mul3A_95 = arith.muli %arg1, %mul3A_94 : i32
    %get3A_96 = arith.constant 0 : index
    %get3A_97 = arith.index_cast %mul3A_95 : i32 to index
    %get3A_98 = arith.constant 0 : index
    %get3A_99 = vector.load %arg4[%get3A_96, %get3A_97, %get3A_98] : memref<1x3072x64xf32, #tpu.memory_space<vmem>>, vector<1x1280x64xf32>
    %get3A_100 = vector.shape_cast %get3A_99 : vector<1x1280x64xf32> to vector<1280x64xf32>
    %dot_general3A_101 = arith.constant dense<0.000000e+00> : vector<256x1280xf32>
    %dot_general3A_102 = tpu.matmul %mul3A_5, %get3A_93, %dot_general3A_101 {dimension_numbers = #tpu.dot_dimension_numbers<[1], [1], [0], [0], [0, 0, 1, 0], [], []>, transpose_lhs_hint = false} : vector<256x64xf32>, vector<1280x64xf32>, vector<256x1280xf32> -> vector<256x1280xf32>
    %iota3A_103 = tpu.iota {dimensions = array<i32: 1>} : vector<256x1280xi32>
    %iota3A_104 = tpu.iota {dimensions = array<i32: 0>} : vector<256x1280xi32>
    %ge3A = arith.cmpi sge, %iota3A_103, %iota3A_104 : vector<256x1280xi32>
    %add3A = arith.constant 1024 : i32
    %add3A_105 = vector.broadcast %add3A : i32 to vector<256x1280xi32>
    %add3A_106 = arith.addi %iota3A_104, %add3A_105 : vector<256x1280xi32>
    %lt3A = arith.cmpi slt, %iota3A_103, %add3A_106 : vector<256x1280xi32>
    %and3A_107 = arith.andi %ge3A, %lt3A : vector<256x1280xi1>
    %add3A_108 = arith.addf %dot_general3A_102, %concatenate3A_86 : vector<256x1280xf32>
    %jit3A = arith.constant -1.000000e+30 : f32
    %broadcast_in_dim3A = vector.broadcast %jit3A : f32 to vector<256x1280xf32>
    %select_n3A_109 = arith.select %and3A_107, %add3A_108, %broadcast_in_dim3A : vector<256x1280xi1>, vector<256x1280xf32>
    %reduce_max3A = arith.constant dense<0xFF800000> : vector<256xf32>
    %reduce_max3A_110 = vector.multi_reduction <maximumf>, %select_n3A_109, %reduce_max3A [1] : vector<256x1280xf32> to vector<256xf32>
    %broadcast_in_dim3A_111 = vector.shape_cast %reduce_max3A_110 : vector<256xf32> to vector<256x1xf32>
    %sub3A = vector.broadcast %broadcast_in_dim3A_111 : vector<256x1xf32> to vector<256x1280xf32>
    %sub3A_112 = arith.subf %select_n3A_109, %sub3A : vector<256x1280xf32>
    %exp3A = math.exp %sub3A_112 : vector<256x1280xf32>
    %reduce_sum3A = arith.constant dense<0.000000e+00> : vector<256xf32>
    %reduce_sum3A_113 = vector.multi_reduction <add>, %exp3A, %reduce_sum3A [1] : vector<256x1280xf32> to vector<256xf32>
    %broadcast_in_dim3A_114 = vector.shape_cast %reduce_sum3A_113 : vector<256xf32> to vector<256x1xf32>
    %div3A = vector.broadcast %broadcast_in_dim3A_114 : vector<256x1xf32> to vector<256x1280xf32>
    %div3A_115 = arith.divf %exp3A, %div3A : vector<256x1280xf32>
    %dot_general3A_116 = arith.constant dense<0.000000e+00> : vector<256x64xf32>
    %dot_general3A_117 = tpu.matmul %div3A_115, %get3A_100, %dot_general3A_116 {dimension_numbers = #tpu.dot_dimension_numbers<[1], [0], [0], [1], [0, 0, 1, 1], [], []>, transpose_lhs_hint = false} : vector<256x1280xf32>, vector<1280x64xf32>, vector<256x64xf32> -> vector<256x64xf32>
    %swap3A = arith.constant 0 : index
    %swap3A_118 = arith.constant 0 : index
    %swap3A_119 = arith.constant 0 : index
    %swap3A_120 = vector.load %arg6[%swap3A, %swap3A_118, %swap3A_119] : memref<1x256x64xf32, #tpu.memory_space<vmem>>, vector<1x256x64xf32>
    %swap3A_121 = vector.shape_cast %swap3A_120 : vector<1x256x64xf32> to vector<256x64xf32>
    %swap3A_122 = vector.shape_cast %dot_general3A_117 : vector<256x64xf32> to vector<1x256x64xf32>
    tpu.vector_store %arg6[%swap3A, %swap3A_118, %swap3A_119], %swap3A_122 {strides = array<i32>} : memref<1x256x64xf32, #tpu.memory_space<vmem>>, vector<1x256x64xf32>,
    return
  }
  func.func @transform_0(%arg0: i32, %arg1: i32) -> (i32, i32, i32) {
    %add3A = arith.constant 4 : i32
    %add3A_0 = arith.addi %arg1, %add3A : i32
    %c0_i32 = arith.constant 0 : i32
    %c0_i32_1 = arith.constant 0 : i32
    return %arg0, %add3A_0, %c0_i32 : i32, i32, i32
  }
  func.func @transform_1(%arg0: i32, %arg1: i32) -> (i32, i32, i32) {
    %c0_i32 = arith.constant 0 : i32
    %c0_i32_0 = arith.constant 0 : i32
    %c0_i32_1 = arith.constant 0 : i32
    return %arg0, %c0_i32, %c0_i32_0 : i32, i32, i32
  }
  func.func @transform_2(%arg0: i32, %arg1: i32) -> (i32, i32, i32) {
    %c0_i32 = arith.constant 0 : i32
    %c0_i32_0 = arith.constant 0 : i32
    %c0_i32_1 = arith.constant 0 : i32
    return %arg0, %c0_i32, %c0_i32_0 : i32, i32, i32
  }
  func.func @transform_3(%arg0: i32, %arg1: i32) -> (i32, i32) {
    %c0_i32 = arith.constant 0 : i32
    %c0_i32_0 = arith.constant 0 : i32
    %c0_i32_1 = arith.constant 0 : i32
    return %c0_i32, %c0_i32_0 : i32, i32
  }
  func.func @transform_4(%arg0: i32, %arg1: i32) -> (i32, i32, i32) {
    %c0_i32 = arith.constant 0 : i32
    %c0_i32_0 = arith.constant 0 : i32
    return %arg0, %arg1, %c0_i32 : i32, i32, i32
  }
}

module attributes {stable_mosaic.version = 14 : i64} {
  func.func @_oproj_body(%arg0: i32, %arg1: memref<16x256x64xf32, #tpu.memory_space<vmem>>, %arg2: memref<1024x1024xf32, #tpu.memory_space<vmem>>, %arg3: memref<256x1024xf32, #tpu.memory_space<vmem>>, %arg4: memref<1x1024xf32, #tpu.memory_space<vmem>>, %arg5: memref<1x1024xf32, #tpu.memory_space<vmem>>, %arg6: memref<256x1024xf32, #tpu.memory_space<vmem>>) attributes {dimension_semantics = [#tpu.dimension_semantics<arbitrary>], iteration_bounds = array<i64: 8>, scalar_prefetch = 0 : i64, scratch_operands = 0 : i64, tpu.core_type = #tpu.core_type<tc>, window_params = [{transform_indices = @transform_0, window_bounds = array<i64: 16, 256, 64>}, {pipeline_mode = #tpu.pipeline_mode<synchronous>, transform_indices = @transform_1, window_bounds = array<i64: 1024, 1024>}, {transform_indices = @transform_2, window_bounds = array<i64: 256, 1024>}, {pipeline_mode = #tpu.pipeline_mode<synchronous>, transform_indices = @transform_3, window_bounds = array<i64: 1, 1024>}, {pipeline_mode = #tpu.pipeline_mode<synchronous>, transform_indices = @transform_4, window_bounds = array<i64: 1, 1024>}, {transform_indices = @transform_5, window_bounds = array<i64: 256, 1024>}]} {
    %get3A = arith.constant 0 : index
    %get3A_0 = arith.constant 0 : index
    %get3A_1 = arith.constant 0 : index
    %get3A_2 = vector.load %arg1[%get3A, %get3A_0, %get3A_1] : memref<16x256x64xf32, #tpu.memory_space<vmem>>, vector<1x256x64xf32>
    %get3A_3 = vector.shape_cast %get3A_2 : vector<1x256x64xf32> to vector<256x64xf32>
    %get3A_4 = arith.constant 1 : index
    %get3A_5 = arith.constant 0 : index
    %get3A_6 = arith.constant 0 : index
    %get3A_7 = vector.load %arg1[%get3A_4, %get3A_5, %get3A_6] : memref<16x256x64xf32, #tpu.memory_space<vmem>>, vector<1x256x64xf32>
    %get3A_8 = vector.shape_cast %get3A_7 : vector<1x256x64xf32> to vector<256x64xf32>
    %get3A_9 = arith.constant 2 : index
    %get3A_10 = arith.constant 0 : index
    %get3A_11 = arith.constant 0 : index
    %get3A_12 = vector.load %arg1[%get3A_9, %get3A_10, %get3A_11] : memref<16x256x64xf32, #tpu.memory_space<vmem>>, vector<1x256x64xf32>
    %get3A_13 = vector.shape_cast %get3A_12 : vector<1x256x64xf32> to vector<256x64xf32>
    %get3A_14 = arith.constant 3 : index
    %get3A_15 = arith.constant 0 : index
    %get3A_16 = arith.constant 0 : index
    %get3A_17 = vector.load %arg1[%get3A_14, %get3A_15, %get3A_16] : memref<16x256x64xf32, #tpu.memory_space<vmem>>, vector<1x256x64xf32>
    %get3A_18 = vector.shape_cast %get3A_17 : vector<1x256x64xf32> to vector<256x64xf32>
    %get3A_19 = arith.constant 4 : index
    %get3A_20 = arith.constant 0 : index
    %get3A_21 = arith.constant 0 : index
    %get3A_22 = vector.load %arg1[%get3A_19, %get3A_20, %get3A_21] : memref<16x256x64xf32, #tpu.memory_space<vmem>>, vector<1x256x64xf32>
    %get3A_23 = vector.shape_cast %get3A_22 : vector<1x256x64xf32> to vector<256x64xf32>
    %get3A_24 = arith.constant 5 : index
    %get3A_25 = arith.constant 0 : index
    %get3A_26 = arith.constant 0 : index
    %get3A_27 = vector.load %arg1[%get3A_24, %get3A_25, %get3A_26] : memref<16x256x64xf32, #tpu.memory_space<vmem>>, vector<1x256x64xf32>
    %get3A_28 = vector.shape_cast %get3A_27 : vector<1x256x64xf32> to vector<256x64xf32>
    %get3A_29 = arith.constant 6 : index
    %get3A_30 = arith.constant 0 : index
    %get3A_31 = arith.constant 0 : index
    %get3A_32 = vector.load %arg1[%get3A_29, %get3A_30, %get3A_31] : memref<16x256x64xf32, #tpu.memory_space<vmem>>, vector<1x256x64xf32>
    %get3A_33 = vector.shape_cast %get3A_32 : vector<1x256x64xf32> to vector<256x64xf32>
    %get3A_34 = arith.constant 7 : index
    %get3A_35 = arith.constant 0 : index
    %get3A_36 = arith.constant 0 : index
    %get3A_37 = vector.load %arg1[%get3A_34, %get3A_35, %get3A_36] : memref<16x256x64xf32, #tpu.memory_space<vmem>>, vector<1x256x64xf32>
    %get3A_38 = vector.shape_cast %get3A_37 : vector<1x256x64xf32> to vector<256x64xf32>
    %get3A_39 = arith.constant 8 : index
    %get3A_40 = arith.constant 0 : index
    %get3A_41 = arith.constant 0 : index
    %get3A_42 = vector.load %arg1[%get3A_39, %get3A_40, %get3A_41] : memref<16x256x64xf32, #tpu.memory_space<vmem>>, vector<1x256x64xf32>
    %get3A_43 = vector.shape_cast %get3A_42 : vector<1x256x64xf32> to vector<256x64xf32>
    %get3A_44 = arith.constant 9 : index
    %get3A_45 = arith.constant 0 : index
    %get3A_46 = arith.constant 0 : index
    %get3A_47 = vector.load %arg1[%get3A_44, %get3A_45, %get3A_46] : memref<16x256x64xf32, #tpu.memory_space<vmem>>, vector<1x256x64xf32>
    %get3A_48 = vector.shape_cast %get3A_47 : vector<1x256x64xf32> to vector<256x64xf32>
    %get3A_49 = arith.constant 10 : index
    %get3A_50 = arith.constant 0 : index
    %get3A_51 = arith.constant 0 : index
    %get3A_52 = vector.load %arg1[%get3A_49, %get3A_50, %get3A_51] : memref<16x256x64xf32, #tpu.memory_space<vmem>>, vector<1x256x64xf32>
    %get3A_53 = vector.shape_cast %get3A_52 : vector<1x256x64xf32> to vector<256x64xf32>
    %get3A_54 = arith.constant 11 : index
    %get3A_55 = arith.constant 0 : index
    %get3A_56 = arith.constant 0 : index
    %get3A_57 = vector.load %arg1[%get3A_54, %get3A_55, %get3A_56] : memref<16x256x64xf32, #tpu.memory_space<vmem>>, vector<1x256x64xf32>
    %get3A_58 = vector.shape_cast %get3A_57 : vector<1x256x64xf32> to vector<256x64xf32>
    %get3A_59 = arith.constant 12 : index
    %get3A_60 = arith.constant 0 : index
    %get3A_61 = arith.constant 0 : index
    %get3A_62 = vector.load %arg1[%get3A_59, %get3A_60, %get3A_61] : memref<16x256x64xf32, #tpu.memory_space<vmem>>, vector<1x256x64xf32>
    %get3A_63 = vector.shape_cast %get3A_62 : vector<1x256x64xf32> to vector<256x64xf32>
    %get3A_64 = arith.constant 13 : index
    %get3A_65 = arith.constant 0 : index
    %get3A_66 = arith.constant 0 : index
    %get3A_67 = vector.load %arg1[%get3A_64, %get3A_65, %get3A_66] : memref<16x256x64xf32, #tpu.memory_space<vmem>>, vector<1x256x64xf32>
    %get3A_68 = vector.shape_cast %get3A_67 : vector<1x256x64xf32> to vector<256x64xf32>
    %get3A_69 = arith.constant 14 : index
    %get3A_70 = arith.constant 0 : index
    %get3A_71 = arith.constant 0 : index
    %get3A_72 = vector.load %arg1[%get3A_69, %get3A_70, %get3A_71] : memref<16x256x64xf32, #tpu.memory_space<vmem>>, vector<1x256x64xf32>
    %get3A_73 = vector.shape_cast %get3A_72 : vector<1x256x64xf32> to vector<256x64xf32>
    %get3A_74 = arith.constant 15 : index
    %get3A_75 = arith.constant 0 : index
    %get3A_76 = arith.constant 0 : index
    %get3A_77 = vector.load %arg1[%get3A_74, %get3A_75, %get3A_76] : memref<16x256x64xf32, #tpu.memory_space<vmem>>, vector<1x256x64xf32>
    %get3A_78 = vector.shape_cast %get3A_77 : vector<1x256x64xf32> to vector<256x64xf32>
    %concatenate3A = tpu.concatenate %get3A_3, %get3A_8, %get3A_13, %get3A_18, %get3A_23, %get3A_28, %get3A_33, %get3A_38, %get3A_43, %get3A_48, %get3A_53, %get3A_58, %get3A_63, %get3A_68, %get3A_73, %get3A_78 in 1 : vector<256x64xf32>, vector<256x64xf32>, vector<256x64xf32>, vector<256x64xf32>, vector<256x64xf32>, vector<256x64xf32>, vector<256x64xf32>, vector<256x64xf32>, vector<256x64xf32>, vector<256x64xf32>, vector<256x64xf32>, vector<256x64xf32>, vector<256x64xf32>, vector<256x64xf32>, vector<256x64xf32>, vector<256x64xf32> -> vector<256x1024xf32>
    %get3A_79 = arith.constant 0 : index
    %get3A_80 = arith.constant 0 : index
    %get3A_81 = vector.load %arg2[%get3A_79, %get3A_80] : memref<1024x1024xf32, #tpu.memory_space<vmem>>, vector<1024x1024xf32>
    %dot_general3A = arith.constant dense<0.000000e+00> : vector<256x1024xf32>
    %dot_general3A_82 = tpu.matmul %concatenate3A, %get3A_81, %dot_general3A {dimension_numbers = #tpu.dot_dimension_numbers<[1], [0], [0], [1], [0, 0, 1, 1], [], []>, transpose_lhs_hint = false} : vector<256x1024xf32>, vector<1024x1024xf32>, vector<256x1024xf32> -> vector<256x1024xf32>
    %get3A_83 = arith.constant 0 : index
    %get3A_84 = arith.constant 0 : index
    %get3A_85 = vector.load %arg3[%get3A_83, %get3A_84] : memref<256x1024xf32, #tpu.memory_space<vmem>>, vector<256x1024xf32>
    %add3A = arith.addf %dot_general3A_82, %get3A_85 : vector<256x1024xf32>
    %get3A_86 = arith.constant 0 : index
    %get3A_87 = arith.constant 0 : index
    %get3A_88 = vector.load %arg4[%get3A_86, %get3A_87] : memref<1x1024xf32, #tpu.memory_space<vmem>>, vector<1x1024xf32>
    %get3A_89 = arith.constant 0 : index
    %get3A_90 = arith.constant 0 : index
    %get3A_91 = vector.load %arg5[%get3A_89, %get3A_90] : memref<1x1024xf32, #tpu.memory_space<vmem>>, vector<1x1024xf32>
    %reduce_sum3A = arith.constant dense<0.000000e+00> : vector<256xf32>
    %reduce_sum3A_92 = vector.multi_reduction <add>, %add3A, %reduce_sum3A [1] : vector<256x1024xf32> to vector<256xf32>
    %broadcast_in_dim3A = vector.shape_cast %reduce_sum3A_92 : vector<256xf32> to vector<256x1xf32>
    %div3A = arith.constant 1.024000e+03 : f32
    %div3A_93 = vector.broadcast %div3A : f32 to vector<256x1xf32>
    %div3A_94 = arith.divf %broadcast_in_dim3A, %div3A_93 : vector<256x1xf32>
    %sub3A = vector.broadcast %div3A_94 : vector<256x1xf32> to vector<256x1024xf32>
    %sub3A_95 = arith.subf %add3A, %sub3A : vector<256x1024xf32>
    %integer_pow3A = arith.mulf %sub3A_95, %sub3A_95 : vector<256x1024xf32>
    %reduce_sum3A_96 = arith.constant dense<0.000000e+00> : vector<256xf32>
    %reduce_sum3A_97 = vector.multi_reduction <add>, %integer_pow3A, %reduce_sum3A_96 [1] : vector<256x1024xf32> to vector<256xf32>
    %broadcast_in_dim3A_98 = vector.shape_cast %reduce_sum3A_97 : vector<256xf32> to vector<256x1xf32>
    %div3A_99 = arith.constant 1.024000e+03 : f32
    %div3A_100 = vector.broadcast %div3A_99 : f32 to vector<256x1xf32>
    %div3A_101 = arith.divf %broadcast_in_dim3A_98, %div3A_100 : vector<256x1xf32>
    %sub3A_102 = vector.broadcast %div3A_94 : vector<256x1xf32> to vector<256x1024xf32>
    %sub3A_103 = arith.subf %add3A, %sub3A_102 : vector<256x1024xf32>
    %add3A_104 = arith.constant 9.99999974E-6 : f32
    %add3A_105 = vector.broadcast %add3A_104 : f32 to vector<256x1xf32>
    %add3A_106 = arith.addf %div3A_101, %add3A_105 : vector<256x1xf32>
    %rsqrt3A = math.rsqrt %add3A_106 : vector<256x1xf32>
    %mul3A = vector.broadcast %rsqrt3A : vector<256x1xf32> to vector<256x1024xf32>
    %mul3A_107 = arith.mulf %sub3A_103, %mul3A : vector<256x1024xf32>
    %mul3A_108 = vector.broadcast %get3A_88 : vector<1x1024xf32> to vector<256x1024xf32>
    %mul3A_109 = arith.mulf %mul3A_107, %mul3A_108 : vector<256x1024xf32>
    %add3A_110 = vector.broadcast %get3A_91 : vector<1x1024xf32> to vector<256x1024xf32>
    %add3A_111 = arith.addf %mul3A_109, %add3A_110 : vector<256x1024xf32>
    %swap3A = arith.constant 0 : index
    %swap3A_112 = arith.constant 0 : index
    %swap3A_113 = vector.load %arg6[%swap3A, %swap3A_112] : memref<256x1024xf32, #tpu.memory_space<vmem>>, vector<256x1024xf32>
    tpu.vector_store %arg6[%swap3A, %swap3A_112], %add3A_111 {strides = array<i32>} : memref<256x1024xf32, #tpu.memory_space<vmem>>, vector<256x1024xf32>,
    return
  }
  func.func @transform_0(%arg0: i32) -> (i32, i32, i32) {
    %c0_i32 = arith.constant 0 : i32
    %c0_i32_0 = arith.constant 0 : i32
    %c0_i32_1 = arith.constant 0 : i32
    return %c0_i32, %arg0, %c0_i32_0 : i32, i32, i32
  }
  func.func @transform_1(%arg0: i32) -> (i32, i32) {
    %c0_i32 = arith.constant 0 : i32
    %c0_i32_0 = arith.constant 0 : i32
    %c0_i32_1 = arith.constant 0 : i32
    return %c0_i32, %c0_i32_0 : i32, i32
  }
  func.func @transform_2(%arg0: i32) -> (i32, i32) {
    %c0_i32 = arith.constant 0 : i32
    %c0_i32_0 = arith.constant 0 : i32
    return %arg0, %c0_i32 : i32, i32
  }
  func.func @transform_3(%arg0: i32) -> (i32, i32) {
    %c0_i32 = arith.constant 0 : i32
    %c0_i32_0 = arith.constant 0 : i32
    %c0_i32_1 = arith.constant 0 : i32
    return %c0_i32, %c0_i32_0 : i32, i32
  }
  func.func @transform_4(%arg0: i32) -> (i32, i32) {
    %c0_i32 = arith.constant 0 : i32
    %c0_i32_0 = arith.constant 0 : i32
    %c0_i32_1 = arith.constant 0 : i32
    return %c0_i32, %c0_i32_0 : i32, i32
  }
  func.func @transform_5(%arg0: i32) -> (i32, i32) {
    %c0_i32 = arith.constant 0 : i32
    %c0_i32_0 = arith.constant 0 : i32
    return %arg0, %c0_i32 : i32, i32
  }
}

module attributes {stable_mosaic.version = 14 : i64} {
  func.func @_gate_body(%arg0: i32, %arg1: memref<2048x1024xf32, #tpu.memory_space<vmem>>, %arg2: memref<1024x16xf32, #tpu.memory_space<vmem>>, %arg3: memref<1x16xf32, #tpu.memory_space<vmem>>, %arg4: memref<2048x1xi32, #tpu.memory_space<vmem>>, %arg5: memref<32x1xi32, #tpu.memory_space<vmem>>, %arg6: memref<1x1xi32, #tpu.memory_space<vmem>>) attributes {dimension_semantics = [#tpu.dimension_semantics<arbitrary>], iteration_bounds = array<i64: 1>, scalar_prefetch = 0 : i64, scratch_operands = 0 : i64, tpu.core_type = #tpu.core_type<tc>, window_params = [{pipeline_mode = #tpu.pipeline_mode<synchronous>, transform_indices = @transform_0, window_bounds = array<i64: 2048, 1024>}, {pipeline_mode = #tpu.pipeline_mode<synchronous>, transform_indices = @transform_1, window_bounds = array<i64: 1024, 16>}, {pipeline_mode = #tpu.pipeline_mode<synchronous>, transform_indices = @transform_2, window_bounds = array<i64: 1, 16>}, {pipeline_mode = #tpu.pipeline_mode<synchronous>, transform_indices = @transform_3, window_bounds = array<i64: 2048, 1>}, {pipeline_mode = #tpu.pipeline_mode<synchronous>, transform_indices = @transform_4, window_bounds = array<i64: 32, 1>}, {pipeline_mode = #tpu.pipeline_mode<synchronous>, transform_indices = @transform_5, window_bounds = array<i64: 1, 1>}]} {
    %get3A = arith.constant 0 : index
    %get3A_0 = arith.constant 0 : index
    %get3A_1 = vector.load %arg1[%get3A, %get3A_0] : memref<2048x1024xf32, #tpu.memory_space<vmem>>, vector<2048x1024xf32>
    %get3A_2 = arith.constant 0 : index
    %get3A_3 = arith.constant 0 : index
    %get3A_4 = vector.load %arg2[%get3A_2, %get3A_3] : memref<1024x16xf32, #tpu.memory_space<vmem>>, vector<1024x16xf32>
    %dot_general3A = arith.constant dense<0.000000e+00> : vector<2048x16xf32>
    %dot_general3A_5 = tpu.matmul %get3A_1, %get3A_4, %dot_general3A {dimension_numbers = #tpu.dot_dimension_numbers<[1], [0], [0], [1], [0, 0, 1, 1], [], []>, transpose_lhs_hint = false} : vector<2048x1024xf32>, vector<1024x16xf32>, vector<2048x16xf32> -> vector<2048x16xf32>
    %get3A_6 = arith.constant 0 : index
    %get3A_7 = arith.constant 0 : index
    %get3A_8 = vector.load %arg3[%get3A_6, %get3A_7] : memref<1x16xf32, #tpu.memory_space<vmem>>, vector<1x16xf32>
    %add3A = vector.broadcast %get3A_8 : vector<1x16xf32> to vector<2048x16xf32>
    %add3A_9 = arith.addf %dot_general3A_5, %add3A : vector<2048x16xf32>
    %reduce_max3A = arith.constant dense<0xFF800000> : vector<2048xf32>
    %reduce_max3A_10 = vector.multi_reduction <maximumf>, %add3A_9, %reduce_max3A [1] : vector<2048x16xf32> to vector<2048xf32>
    %broadcast_in_dim3A = vector.shape_cast %reduce_max3A_10 : vector<2048xf32> to vector<2048x1xf32>
    %iota3A = tpu.iota {dimensions = array<i32: 1>} : vector<2048x16xi32>
    %eq3A = vector.broadcast %broadcast_in_dim3A : vector<2048x1xf32> to vector<2048x16xf32>
    %eq3A_11 = arith.cmpf oeq, %add3A_9, %eq3A : vector<2048x16xf32>
    %jit3A = arith.constant 16 : i32
    %broadcast_in_dim3A_12 = vector.broadcast %jit3A : i32 to vector<2048x16xi32>
    %select_n3A = arith.select %eq3A_11, %iota3A, %broadcast_in_dim3A_12 : vector<2048x16xi1>, vector<2048x16xi32>
    %reduce_min3A = arith.constant dense<2147483647> : vector<2048xi32>
    %reduce_min3A_13 = vector.multi_reduction <minsi>, %select_n3A, %reduce_min3A [1] : vector<2048x16xi32> to vector<2048xi32>
    %broadcast_in_dim3A_14 = vector.shape_cast %reduce_min3A_13 : vector<2048xi32> to vector<2048x1xi32>
    %eq3A_15 = vector.broadcast %broadcast_in_dim3A_14 : vector<2048x1xi32> to vector<2048x16xi32>
    %eq3A_16 = arith.cmpi eq, %iota3A, %eq3A_15 : vector<2048x16xi32>
    %convert_element_type3A = arith.extui %eq3A_16 : vector<2048x16xi1> to vector<2048x16xi32>
    %convert_element_type3A_17 = arith.sitofp %convert_element_type3A : vector<2048x16xi32> to vector<2048x16xf32>
    %reduce_sum3A = arith.constant dense<0.000000e+00> : vector<16xf32>
    %reduce_sum3A_18 = vector.multi_reduction <add>, %convert_element_type3A_17, %reduce_sum3A [0] : vector<2048x16xf32> to vector<16xf32>
    %broadcast_in_dim3A_19 = vector.shape_cast %reduce_sum3A_18 : vector<16xf32> to vector<1x16xf32>
    %add3A_20 = arith.constant 1.270000e+02 : f32
    %add3A_21 = vector.broadcast %add3A_20 : f32 to vector<1x16xf32>
    %add3A_22 = arith.addf %broadcast_in_dim3A_19, %add3A_21 : vector<1x16xf32>
    %mul3A = arith.constant 7.812500e-03 : f32
    %mul3A_23 = vector.broadcast %mul3A : f32 to vector<1x16xf32>
    %mul3A_24 = arith.mulf %add3A_22, %mul3A_23 : vector<1x16xf32>
    %floor3A = math.floor %mul3A_24 : vector<1x16xf32>
    %mul3A_25 = arith.constant 1.280000e+02 : f32
    %mul3A_26 = vector.broadcast %mul3A_25 : f32 to vector<1x16xf32>
    %mul3A_27 = arith.mulf %floor3A, %mul3A_26 : vector<1x16xf32>
    %iota3A_28 = tpu.iota {dimensions = array<i32: 0>} : vector<16x16xi32>
    %iota3A_29 = tpu.iota {dimensions = array<i32: 1>} : vector<16x16xi32>
    %lt3A = arith.cmpi slt, %iota3A_28, %iota3A_29 : vector<16x16xi32>
    %convert_element_type3A_30 = arith.extui %lt3A : vector<16x16xi1> to vector<16x16xi32>
    %convert_element_type3A_31 = arith.sitofp %convert_element_type3A_30 : vector<16x16xi32> to vector<16x16xf32>
    %dot_general3A_32 = arith.constant dense<0.000000e+00> : vector<1x16xf32>
    %dot_general3A_33 = tpu.matmul %mul3A_27, %convert_element_type3A_31, %dot_general3A_32 {dimension_numbers = #tpu.dot_dimension_numbers<[1], [0], [0], [1], [0, 0, 1, 1], [], []>, transpose_lhs_hint = false} : vector<1x16xf32>, vector<16x16xf32>, vector<1x16xf32> -> vector<1x16xf32>
    %slice3A = vector.extract_strided_slice %convert_element_type3A_17 {offsets = [0, 0], sizes = [256, 16], strides = [1, 1]} : vector<2048x16xf32> to vector<256x16xf32>
    %iota3A_34 = tpu.iota {dimensions = array<i32: 0>} : vector<256x2048xi32>
    %add3A_35 = arith.constant 0 : i32
    %add3A_36 = vector.broadcast %add3A_35 : i32 to vector<256x2048xi32>
    %add3A_37 = arith.addi %iota3A_34, %add3A_36 : vector<256x2048xi32>
    %iota3A_38 = tpu.iota {dimensions = array<i32: 1>} : vector<256x2048xi32>
    %lt3A_39 = arith.cmpi slt, %iota3A_38, %add3A_37 : vector<256x2048xi32>
    %convert_element_type3A_40 = arith.extui %lt3A_39 : vector<256x2048xi1> to vector<256x2048xi32>
    %convert_element_type3A_41 = arith.sitofp %convert_element_type3A_40 : vector<256x2048xi32> to vector<256x2048xf32>
    %dot_general3A_42 = arith.constant dense<0.000000e+00> : vector<256x16xf32>
    %dot_general3A_43 = tpu.matmul %convert_element_type3A_41, %convert_element_type3A_17, %dot_general3A_42 {dimension_numbers = #tpu.dot_dimension_numbers<[1], [0], [0], [1], [0, 0, 1, 1], [], []>, transpose_lhs_hint = false} : vector<256x2048xf32>, vector<2048x16xf32>, vector<256x16xf32> -> vector<256x16xf32>
    %add3A_44 = vector.broadcast %dot_general3A_33 : vector<1x16xf32> to vector<256x16xf32>
    %add3A_45 = arith.addf %dot_general3A_43, %add3A_44 : vector<256x16xf32>
    %mul3A_46 = arith.mulf %slice3A, %add3A_45 : vector<256x16xf32>
    %reduce_sum3A_47 = arith.constant dense<0.000000e+00> : vector<256xf32>
    %reduce_sum3A_48 = vector.multi_reduction <add>, %mul3A_46, %reduce_sum3A_47 [1] : vector<256x16xf32> to vector<256xf32>
    %broadcast_in_dim3A_49 = vector.shape_cast %reduce_sum3A_48 : vector<256xf32> to vector<256x1xf32>
    %convert_element_type3A_50 = arith.fptosi %broadcast_in_dim3A_49 : vector<256x1xf32> to vector<256x1xi32>
    %swap3A = arith.constant 0 : index
    %swap3A_51 = arith.constant 0 : index
    %swap3A_52 = vector.load %arg4[%swap3A, %swap3A_51] : memref<2048x1xi32, #tpu.memory_space<vmem>>, vector<256x1xi32>
    tpu.vector_store %arg4[%swap3A, %swap3A_51], %convert_element_type3A_50 {strides = array<i32>} : memref<2048x1xi32, #tpu.memory_space<vmem>>, vector<256x1xi32>,
    %slice3A_53 = vector.extract_strided_slice %convert_element_type3A_17 {offsets = [256, 0], sizes = [256, 16], strides = [1, 1]} : vector<2048x16xf32> to vector<256x16xf32>
    %iota3A_54 = tpu.iota {dimensions = array<i32: 0>} : vector<256x2048xi32>
    %add3A_55 = arith.constant 256 : i32
    %add3A_56 = vector.broadcast %add3A_55 : i32 to vector<256x2048xi32>
    %add3A_57 = arith.addi %iota3A_54, %add3A_56 : vector<256x2048xi32>
    %iota3A_58 = tpu.iota {dimensions = array<i32: 1>} : vector<256x2048xi32>
    %lt3A_59 = arith.cmpi slt, %iota3A_58, %add3A_57 : vector<256x2048xi32>
    %convert_element_type3A_60 = arith.extui %lt3A_59 : vector<256x2048xi1> to vector<256x2048xi32>
    %convert_element_type3A_61 = arith.sitofp %convert_element_type3A_60 : vector<256x2048xi32> to vector<256x2048xf32>
    %dot_general3A_62 = arith.constant dense<0.000000e+00> : vector<256x16xf32>
    %dot_general3A_63 = tpu.matmul %convert_element_type3A_61, %convert_element_type3A_17, %dot_general3A_62 {dimension_numbers = #tpu.dot_dimension_numbers<[1], [0], [0], [1], [0, 0, 1, 1], [], []>, transpose_lhs_hint = false} : vector<256x2048xf32>, vector<2048x16xf32>, vector<256x16xf32> -> vector<256x16xf32>
    %add3A_64 = vector.broadcast %dot_general3A_33 : vector<1x16xf32> to vector<256x16xf32>
    %add3A_65 = arith.addf %dot_general3A_63, %add3A_64 : vector<256x16xf32>
    %mul3A_66 = arith.mulf %slice3A_53, %add3A_65 : vector<256x16xf32>
    %reduce_sum3A_67 = arith.constant dense<0.000000e+00> : vector<256xf32>
    %reduce_sum3A_68 = vector.multi_reduction <add>, %mul3A_66, %reduce_sum3A_67 [1] : vector<256x16xf32> to vector<256xf32>
    %broadcast_in_dim3A_69 = vector.shape_cast %reduce_sum3A_68 : vector<256xf32> to vector<256x1xf32>
    %convert_element_type3A_70 = arith.fptosi %broadcast_in_dim3A_69 : vector<256x1xf32> to vector<256x1xi32>
    %swap3A_71 = arith.constant 256 : index
    %swap3A_72 = arith.constant 0 : index
    %swap3A_73 = vector.load %arg4[%swap3A_71, %swap3A_72] : memref<2048x1xi32, #tpu.memory_space<vmem>>, vector<256x1xi32>
    tpu.vector_store %arg4[%swap3A_71, %swap3A_72], %convert_element_type3A_70 {strides = array<i32>} : memref<2048x1xi32, #tpu.memory_space<vmem>>, vector<256x1xi32>,
    %slice3A_74 = vector.extract_strided_slice %convert_element_type3A_17 {offsets = [512, 0], sizes = [256, 16], strides = [1, 1]} : vector<2048x16xf32> to vector<256x16xf32>
    %iota3A_75 = tpu.iota {dimensions = array<i32: 0>} : vector<256x2048xi32>
    %add3A_76 = arith.constant 512 : i32
    %add3A_77 = vector.broadcast %add3A_76 : i32 to vector<256x2048xi32>
    %add3A_78 = arith.addi %iota3A_75, %add3A_77 : vector<256x2048xi32>
    %iota3A_79 = tpu.iota {dimensions = array<i32: 1>} : vector<256x2048xi32>
    %lt3A_80 = arith.cmpi slt, %iota3A_79, %add3A_78 : vector<256x2048xi32>
    %convert_element_type3A_81 = arith.extui %lt3A_80 : vector<256x2048xi1> to vector<256x2048xi32>
    %convert_element_type3A_82 = arith.sitofp %convert_element_type3A_81 : vector<256x2048xi32> to vector<256x2048xf32>
    %dot_general3A_83 = arith.constant dense<0.000000e+00> : vector<256x16xf32>
    %dot_general3A_84 = tpu.matmul %convert_element_type3A_82, %convert_element_type3A_17, %dot_general3A_83 {dimension_numbers = #tpu.dot_dimension_numbers<[1], [0], [0], [1], [0, 0, 1, 1], [], []>, transpose_lhs_hint = false} : vector<256x2048xf32>, vector<2048x16xf32>, vector<256x16xf32> -> vector<256x16xf32>
    %add3A_85 = vector.broadcast %dot_general3A_33 : vector<1x16xf32> to vector<256x16xf32>
    %add3A_86 = arith.addf %dot_general3A_84, %add3A_85 : vector<256x16xf32>
    %mul3A_87 = arith.mulf %slice3A_74, %add3A_86 : vector<256x16xf32>
    %reduce_sum3A_88 = arith.constant dense<0.000000e+00> : vector<256xf32>
    %reduce_sum3A_89 = vector.multi_reduction <add>, %mul3A_87, %reduce_sum3A_88 [1] : vector<256x16xf32> to vector<256xf32>
    %broadcast_in_dim3A_90 = vector.shape_cast %reduce_sum3A_89 : vector<256xf32> to vector<256x1xf32>
    %convert_element_type3A_91 = arith.fptosi %broadcast_in_dim3A_90 : vector<256x1xf32> to vector<256x1xi32>
    %swap3A_92 = arith.constant 512 : index
    %swap3A_93 = arith.constant 0 : index
    %swap3A_94 = vector.load %arg4[%swap3A_92, %swap3A_93] : memref<2048x1xi32, #tpu.memory_space<vmem>>, vector<256x1xi32>
    tpu.vector_store %arg4[%swap3A_92, %swap3A_93], %convert_element_type3A_91 {strides = array<i32>} : memref<2048x1xi32, #tpu.memory_space<vmem>>, vector<256x1xi32>,
    %slice3A_95 = vector.extract_strided_slice %convert_element_type3A_17 {offsets = [768, 0], sizes = [256, 16], strides = [1, 1]} : vector<2048x16xf32> to vector<256x16xf32>
    %iota3A_96 = tpu.iota {dimensions = array<i32: 0>} : vector<256x2048xi32>
    %add3A_97 = arith.constant 768 : i32
    %add3A_98 = vector.broadcast %add3A_97 : i32 to vector<256x2048xi32>
    %add3A_99 = arith.addi %iota3A_96, %add3A_98 : vector<256x2048xi32>
    %iota3A_100 = tpu.iota {dimensions = array<i32: 1>} : vector<256x2048xi32>
    %lt3A_101 = arith.cmpi slt, %iota3A_100, %add3A_99 : vector<256x2048xi32>
    %convert_element_type3A_102 = arith.extui %lt3A_101 : vector<256x2048xi1> to vector<256x2048xi32>
    %convert_element_type3A_103 = arith.sitofp %convert_element_type3A_102 : vector<256x2048xi32> to vector<256x2048xf32>
    %dot_general3A_104 = arith.constant dense<0.000000e+00> : vector<256x16xf32>
    %dot_general3A_105 = tpu.matmul %convert_element_type3A_103, %convert_element_type3A_17, %dot_general3A_104 {dimension_numbers = #tpu.dot_dimension_numbers<[1], [0], [0], [1], [0, 0, 1, 1], [], []>, transpose_lhs_hint = false} : vector<256x2048xf32>, vector<2048x16xf32>, vector<256x16xf32> -> vector<256x16xf32>
    %add3A_106 = vector.broadcast %dot_general3A_33 : vector<1x16xf32> to vector<256x16xf32>
    %add3A_107 = arith.addf %dot_general3A_105, %add3A_106 : vector<256x16xf32>
    %mul3A_108 = arith.mulf %slice3A_95, %add3A_107 : vector<256x16xf32>
    %reduce_sum3A_109 = arith.constant dense<0.000000e+00> : vector<256xf32>
    %reduce_sum3A_110 = vector.multi_reduction <add>, %mul3A_108, %reduce_sum3A_109 [1] : vector<256x16xf32> to vector<256xf32>
    %broadcast_in_dim3A_111 = vector.shape_cast %reduce_sum3A_110 : vector<256xf32> to vector<256x1xf32>
    %convert_element_type3A_112 = arith.fptosi %broadcast_in_dim3A_111 : vector<256x1xf32> to vector<256x1xi32>
    %swap3A_113 = arith.constant 768 : index
    %swap3A_114 = arith.constant 0 : index
    %swap3A_115 = vector.load %arg4[%swap3A_113, %swap3A_114] : memref<2048x1xi32, #tpu.memory_space<vmem>>, vector<256x1xi32>
    tpu.vector_store %arg4[%swap3A_113, %swap3A_114], %convert_element_type3A_112 {strides = array<i32>} : memref<2048x1xi32, #tpu.memory_space<vmem>>, vector<256x1xi32>,
    %slice3A_116 = vector.extract_strided_slice %convert_element_type3A_17 {offsets = [1024, 0], sizes = [256, 16], strides = [1, 1]} : vector<2048x16xf32> to vector<256x16xf32>
    %iota3A_117 = tpu.iota {dimensions = array<i32: 0>} : vector<256x2048xi32>
    %add3A_118 = arith.constant 1024 : i32
    %add3A_119 = vector.broadcast %add3A_118 : i32 to vector<256x2048xi32>
    %add3A_120 = arith.addi %iota3A_117, %add3A_119 : vector<256x2048xi32>
    %iota3A_121 = tpu.iota {dimensions = array<i32: 1>} : vector<256x2048xi32>
    %lt3A_122 = arith.cmpi slt, %iota3A_121, %add3A_120 : vector<256x2048xi32>
    %convert_element_type3A_123 = arith.extui %lt3A_122 : vector<256x2048xi1> to vector<256x2048xi32>
    %convert_element_type3A_124 = arith.sitofp %convert_element_type3A_123 : vector<256x2048xi32> to vector<256x2048xf32>
    %dot_general3A_125 = arith.constant dense<0.000000e+00> : vector<256x16xf32>
    %dot_general3A_126 = tpu.matmul %convert_element_type3A_124, %convert_element_type3A_17, %dot_general3A_125 {dimension_numbers = #tpu.dot_dimension_numbers<[1], [0], [0], [1], [0, 0, 1, 1], [], []>, transpose_lhs_hint = false} : vector<256x2048xf32>, vector<2048x16xf32>, vector<256x16xf32> -> vector<256x16xf32>
    %add3A_127 = vector.broadcast %dot_general3A_33 : vector<1x16xf32> to vector<256x16xf32>
    %add3A_128 = arith.addf %dot_general3A_126, %add3A_127 : vector<256x16xf32>
    %mul3A_129 = arith.mulf %slice3A_116, %add3A_128 : vector<256x16xf32>
    %reduce_sum3A_130 = arith.constant dense<0.000000e+00> : vector<256xf32>
    %reduce_sum3A_131 = vector.multi_reduction <add>, %mul3A_129, %reduce_sum3A_130 [1] : vector<256x16xf32> to vector<256xf32>
    %broadcast_in_dim3A_132 = vector.shape_cast %reduce_sum3A_131 : vector<256xf32> to vector<256x1xf32>
    %convert_element_type3A_133 = arith.fptosi %broadcast_in_dim3A_132 : vector<256x1xf32> to vector<256x1xi32>
    %swap3A_134 = arith.constant 1024 : index
    %swap3A_135 = arith.constant 0 : index
    %swap3A_136 = vector.load %arg4[%swap3A_134, %swap3A_135] : memref<2048x1xi32, #tpu.memory_space<vmem>>, vector<256x1xi32>
    tpu.vector_store %arg4[%swap3A_134, %swap3A_135], %convert_element_type3A_133 {strides = array<i32>} : memref<2048x1xi32, #tpu.memory_space<vmem>>, vector<256x1xi32>,
    %slice3A_137 = vector.extract_strided_slice %convert_element_type3A_17 {offsets = [1280, 0], sizes = [256, 16], strides = [1, 1]} : vector<2048x16xf32> to vector<256x16xf32>
    %iota3A_138 = tpu.iota {dimensions = array<i32: 0>} : vector<256x2048xi32>
    %add3A_139 = arith.constant 1280 : i32
    %add3A_140 = vector.broadcast %add3A_139 : i32 to vector<256x2048xi32>
    %add3A_141 = arith.addi %iota3A_138, %add3A_140 : vector<256x2048xi32>
    %iota3A_142 = tpu.iota {dimensions = array<i32: 1>} : vector<256x2048xi32>
    %lt3A_143 = arith.cmpi slt, %iota3A_142, %add3A_141 : vector<256x2048xi32>
    %convert_element_type3A_144 = arith.extui %lt3A_143 : vector<256x2048xi1> to vector<256x2048xi32>
    %convert_element_type3A_145 = arith.sitofp %convert_element_type3A_144 : vector<256x2048xi32> to vector<256x2048xf32>
    %dot_general3A_146 = arith.constant dense<0.000000e+00> : vector<256x16xf32>
    %dot_general3A_147 = tpu.matmul %convert_element_type3A_145, %convert_element_type3A_17, %dot_general3A_146 {dimension_numbers = #tpu.dot_dimension_numbers<[1], [0], [0], [1], [0, 0, 1, 1], [], []>, transpose_lhs_hint = false} : vector<256x2048xf32>, vector<2048x16xf32>, vector<256x16xf32> -> vector<256x16xf32>
    %add3A_148 = vector.broadcast %dot_general3A_33 : vector<1x16xf32> to vector<256x16xf32>
    %add3A_149 = arith.addf %dot_general3A_147, %add3A_148 : vector<256x16xf32>
    %mul3A_150 = arith.mulf %slice3A_137, %add3A_149 : vector<256x16xf32>
    %reduce_sum3A_151 = arith.constant dense<0.000000e+00> : vector<256xf32>
    %reduce_sum3A_152 = vector.multi_reduction <add>, %mul3A_150, %reduce_sum3A_151 [1] : vector<256x16xf32> to vector<256xf32>
    %broadcast_in_dim3A_153 = vector.shape_cast %reduce_sum3A_152 : vector<256xf32> to vector<256x1xf32>
    %convert_element_type3A_154 = arith.fptosi %broadcast_in_dim3A_153 : vector<256x1xf32> to vector<256x1xi32>
    %swap3A_155 = arith.constant 1280 : index
    %swap3A_156 = arith.constant 0 : index
    %swap3A_157 = vector.load %arg4[%swap3A_155, %swap3A_156] : memref<2048x1xi32, #tpu.memory_space<vmem>>, vector<256x1xi32>
    tpu.vector_store %arg4[%swap3A_155, %swap3A_156], %convert_element_type3A_154 {strides = array<i32>} : memref<2048x1xi32, #tpu.memory_space<vmem>>, vector<256x1xi32>,
    %slice3A_158 = vector.extract_strided_slice %convert_element_type3A_17 {offsets = [1536, 0], sizes = [256, 16], strides = [1, 1]} : vector<2048x16xf32> to vector<256x16xf32>
    %iota3A_159 = tpu.iota {dimensions = array<i32: 0>} : vector<256x2048xi32>
    %add3A_160 = arith.constant 1536 : i32
    %add3A_161 = vector.broadcast %add3A_160 : i32 to vector<256x2048xi32>
    %add3A_162 = arith.addi %iota3A_159, %add3A_161 : vector<256x2048xi32>
    %iota3A_163 = tpu.iota {dimensions = array<i32: 1>} : vector<256x2048xi32>
    %lt3A_164 = arith.cmpi slt, %iota3A_163, %add3A_162 : vector<256x2048xi32>
    %convert_element_type3A_165 = arith.extui %lt3A_164 : vector<256x2048xi1> to vector<256x2048xi32>
    %convert_element_type3A_166 = arith.sitofp %convert_element_type3A_165 : vector<256x2048xi32> to vector<256x2048xf32>
    %dot_general3A_167 = arith.constant dense<0.000000e+00> : vector<256x16xf32>
    %dot_general3A_168 = tpu.matmul %convert_element_type3A_166, %convert_element_type3A_17, %dot_general3A_167 {dimension_numbers = #tpu.dot_dimension_numbers<[1], [0], [0], [1], [0, 0, 1, 1], [], []>, transpose_lhs_hint = false} : vector<256x2048xf32>, vector<2048x16xf32>, vector<256x16xf32> -> vector<256x16xf32>
    %add3A_169 = vector.broadcast %dot_general3A_33 : vector<1x16xf32> to vector<256x16xf32>
    %add3A_170 = arith.addf %dot_general3A_168, %add3A_169 : vector<256x16xf32>
    %mul3A_171 = arith.mulf %slice3A_158, %add3A_170 : vector<256x16xf32>
    %reduce_sum3A_172 = arith.constant dense<0.000000e+00> : vector<256xf32>
    %reduce_sum3A_173 = vector.multi_reduction <add>, %mul3A_171, %reduce_sum3A_172 [1] : vector<256x16xf32> to vector<256xf32>
    %broadcast_in_dim3A_174 = vector.shape_cast %reduce_sum3A_173 : vector<256xf32> to vector<256x1xf32>
    %convert_element_type3A_175 = arith.fptosi %broadcast_in_dim3A_174 : vector<256x1xf32> to vector<256x1xi32>
    %swap3A_176 = arith.constant 1536 : index
    %swap3A_177 = arith.constant 0 : index
    %swap3A_178 = vector.load %arg4[%swap3A_176, %swap3A_177] : memref<2048x1xi32, #tpu.memory_space<vmem>>, vector<256x1xi32>
    tpu.vector_store %arg4[%swap3A_176, %swap3A_177], %convert_element_type3A_175 {strides = array<i32>} : memref<2048x1xi32, #tpu.memory_space<vmem>>, vector<256x1xi32>,
    %slice3A_179 = vector.extract_strided_slice %convert_element_type3A_17 {offsets = [1792, 0], sizes = [256, 16], strides = [1, 1]} : vector<2048x16xf32> to vector<256x16xf32>
    %iota3A_180 = tpu.iota {dimensions = array<i32: 0>} : vector<256x2048xi32>
    %add3A_181 = arith.constant 1792 : i32
    %add3A_182 = vector.broadcast %add3A_181 : i32 to vector<256x2048xi32>
    %add3A_183 = arith.addi %iota3A_180, %add3A_182 : vector<256x2048xi32>
    %iota3A_184 = tpu.iota {dimensions = array<i32: 1>} : vector<256x2048xi32>
    %lt3A_185 = arith.cmpi slt, %iota3A_184, %add3A_183 : vector<256x2048xi32>
    %convert_element_type3A_186 = arith.extui %lt3A_185 : vector<256x2048xi1> to vector<256x2048xi32>
    %convert_element_type3A_187 = arith.sitofp %convert_element_type3A_186 : vector<256x2048xi32> to vector<256x2048xf32>
    %dot_general3A_188 = arith.constant dense<0.000000e+00> : vector<256x16xf32>
    %dot_general3A_189 = tpu.matmul %convert_element_type3A_187, %convert_element_type3A_17, %dot_general3A_188 {dimension_numbers = #tpu.dot_dimension_numbers<[1], [0], [0], [1], [0, 0, 1, 1], [], []>, transpose_lhs_hint = false} : vector<256x2048xf32>, vector<2048x16xf32>, vector<256x16xf32> -> vector<256x16xf32>
    %add3A_190 = vector.broadcast %dot_general3A_33 : vector<1x16xf32> to vector<256x16xf32>
    %add3A_191 = arith.addf %dot_general3A_189, %add3A_190 : vector<256x16xf32>
    %mul3A_192 = arith.mulf %slice3A_179, %add3A_191 : vector<256x16xf32>
    %reduce_sum3A_193 = arith.constant dense<0.000000e+00> : vector<256xf32>
    %reduce_sum3A_194 = vector.multi_reduction <add>, %mul3A_192, %reduce_sum3A_193 [1] : vector<256x16xf32> to vector<256xf32>
    %broadcast_in_dim3A_195 = vector.shape_cast %reduce_sum3A_194 : vector<256xf32> to vector<256x1xf32>
    %convert_element_type3A_196 = arith.fptosi %broadcast_in_dim3A_195 : vector<256x1xf32> to vector<256x1xi32>
    %swap3A_197 = arith.constant 1792 : index
    %swap3A_198 = arith.constant 0 : index
    %swap3A_199 = vector.load %arg4[%swap3A_197, %swap3A_198] : memref<2048x1xi32, #tpu.memory_space<vmem>>, vector<256x1xi32>
    tpu.vector_store %arg4[%swap3A_197, %swap3A_198], %convert_element_type3A_196 {strides = array<i32>} : memref<2048x1xi32, #tpu.memory_space<vmem>>, vector<256x1xi32>,
    %reduce_sum3A_200 = vector.shape_cast %mul3A_27 : vector<1x16xf32> to vector<1x1x16xf32>
    %reduce_sum3A_201 = arith.constant dense<0.000000e+00> : vector<1xf32>
    %reduce_sum3A_202 = vector.multi_reduction <add>, %reduce_sum3A_200, %reduce_sum3A_201 [1, 2] : vector<1x1x16xf32> to vector<1xf32>
    %reduce_sum3A_203 = vector.shape_cast %reduce_sum3A_202 : vector<1xf32> to vector<1x1x1xf32>
    %reduce_sum3A_204 = vector.extract %reduce_sum3A_203[0, 0, 0] : f32 from vector<1x1x1xf32>
    %iota3A_205 = tpu.iota {dimensions = array<i32: 0>} : vector<32x1xi32>
    %convert_element_type3A_206 = arith.sitofp %iota3A_205 : vector<32x1xi32> to vector<32x1xf32>
    %mul3A_207 = arith.constant 7.812500e-03 : f32
    %mul3A_208 = arith.mulf %reduce_sum3A_204, %mul3A_207 : f32
    %sub3A = arith.constant 1.000000e+00 : f32
    %sub3A_209 = arith.subf %mul3A_208, %sub3A : f32
    %min3A = vector.broadcast %sub3A_209 : f32 to vector<32x1xf32>
    %min3A_210 = arith.minimumf %convert_element_type3A_206, %min3A : vector<32x1xf32>
    %broadcast_in_dim3A_211 = vector.shape_cast %dot_general3A_33 : vector<1x16xf32> to vector<1x16xf32>
    %broadcast_in_dim3A_212 = vector.broadcast %broadcast_in_dim3A_211 : vector<1x16xf32> to vector<32x16xf32>
    %mul3A_213 = arith.constant 1.280000e+02 : f32
    %mul3A_214 = vector.broadcast %mul3A_213 : f32 to vector<32x1xf32>
    %mul3A_215 = arith.mulf %mul3A_214, %min3A_210 : vector<32x1xf32>
    %le3A = vector.broadcast %mul3A_215 : vector<32x1xf32> to vector<32x16xf32>
    %le3A_216 = arith.cmpf ole, %broadcast_in_dim3A_212, %le3A : vector<32x16xf32>
    %convert_element_type3A_217 = arith.extui %le3A_216 : vector<32x16xi1> to vector<32x16xi32>
    %convert_element_type3A_218 = arith.sitofp %convert_element_type3A_217 : vector<32x16xi32> to vector<32x16xf32>
    %reduce_sum3A_219 = arith.constant dense<0.000000e+00> : vector<32xf32>
    %reduce_sum3A_220 = vector.multi_reduction <add>, %convert_element_type3A_218, %reduce_sum3A_219 [1] : vector<32x16xf32> to vector<32xf32>
    %broadcast_in_dim3A_221 = vector.shape_cast %reduce_sum3A_220 : vector<32xf32> to vector<32x1xf32>
    %sub3A_222 = arith.constant 1.000000e+00 : f32
    %sub3A_223 = vector.broadcast %sub3A_222 : f32 to vector<32x1xf32>
    %sub3A_224 = arith.subf %broadcast_in_dim3A_221, %sub3A_223 : vector<32x1xf32>
    %convert_element_type3A_225 = arith.fptosi %sub3A_224 : vector<32x1xf32> to vector<32x1xi32>
    %swap3A_226 = arith.constant 0 : index
    %swap3A_227 = arith.constant 0 : index
    %swap3A_228 = vector.load %arg5[%swap3A_226, %swap3A_227] : memref<32x1xi32, #tpu.memory_space<vmem>>, vector<32x1xi32>
    tpu.vector_store %arg5[%swap3A_226, %swap3A_227], %convert_element_type3A_225 {strides = array<i32>} : memref<32x1xi32, #tpu.memory_space<vmem>>, vector<32x1xi32>,
    %mul3A_229 = arith.constant 7.812500e-03 : f32
    %mul3A_230 = arith.mulf %reduce_sum3A_204, %mul3A_229 : f32
    %broadcast_in_dim3A_231 = vector.broadcast %mul3A_230 : f32 to vector<1x1xf32>
    %convert_element_type3A_232 = arith.fptosi %broadcast_in_dim3A_231 : vector<1x1xf32> to vector<1x1xi32>
    %swap3A_233 = arith.constant 0 : index
    %swap3A_234 = arith.constant 0 : index
    %swap3A_235 = vector.load %arg6[%swap3A_233, %swap3A_234] : memref<1x1xi32, #tpu.memory_space<vmem>>, vector<1x1xi32>
    tpu.vector_store %arg6[%swap3A_233, %swap3A_234], %convert_element_type3A_232 {strides = array<i32>} : memref<1x1xi32, #tpu.memory_space<vmem>>, vector<1x1xi32>,
    return
  }
  func.func @transform_0(%arg0: i32) -> (i32, i32) {
    %c0_i32 = arith.constant 0 : i32
    %c0_i32_0 = arith.constant 0 : i32
    %c0_i32_1 = arith.constant 0 : i32
    return %c0_i32, %c0_i32_0 : i32, i32
  }
  func.func @transform_1(%arg0: i32) -> (i32, i32) {
    %c0_i32 = arith.constant 0 : i32
    %c0_i32_0 = arith.constant 0 : i32
    %c0_i32_1 = arith.constant 0 : i32
    return %c0_i32, %c0_i32_0 : i32, i32
  }
  func.func @transform_2(%arg0: i32) -> (i32, i32) {
    %c0_i32 = arith.constant 0 : i32
    %c0_i32_0 = arith.constant 0 : i32
    %c0_i32_1 = arith.constant 0 : i32
    return %c0_i32, %c0_i32_0 : i32, i32
  }
  func.func @transform_3(%arg0: i32) -> (i32, i32) {
    %c0_i32 = arith.constant 0 : i32
    %c0_i32_0 = arith.constant 0 : i32
    %c0_i32_1 = arith.constant 0 : i32
    return %c0_i32, %c0_i32_0 : i32, i32
  }
  func.func @transform_4(%arg0: i32) -> (i32, i32) {
    %c0_i32 = arith.constant 0 : i32
    %c0_i32_0 = arith.constant 0 : i32
    %c0_i32_1 = arith.constant 0 : i32
    return %c0_i32, %c0_i32_0 : i32, i32
  }
  func.func @transform_5(%arg0: i32) -> (i32, i32) {
    %c0_i32 = arith.constant 0 : i32
    %c0_i32_0 = arith.constant 0 : i32
    %c0_i32_1 = arith.constant 0 : i32
    return %c0_i32, %c0_i32_0 : i32, i32
  }
}

module attributes {stable_mosaic.version = 14 : i64} {
  func.func @_ffn_body(%arg0: i32, %arg1: memref<32xi32, #tpu.memory_space<smem>>, %arg2: memref<1xi32, #tpu.memory_space<smem>>, %arg3: memref<128x1024xf32, #tpu.memory_space<vmem>>, %arg4: memref<1x1024x1024xf32, #tpu.memory_space<vmem>>, %arg5: memref<1x1x1024xf32, #tpu.memory_space<vmem>>, %arg6: memref<1x1024x1024xf32, #tpu.memory_space<vmem>>, %arg7: memref<1x1x1024xf32, #tpu.memory_space<vmem>>, %arg8: memref<128x1024xf32, #tpu.memory_space<vmem>>) attributes {dimension_semantics = [#tpu.dimension_semantics<arbitrary>], iteration_bounds = array<i64: 32>, scalar_prefetch = 2 : i64, scratch_operands = 0 : i64, tpu.core_type = #tpu.core_type<tc>, window_params = [{transform_indices = @transform_0, window_bounds = array<i64: 128, 1024>}, {transform_indices = @transform_1, window_bounds = array<i64: 1, 1024, 1024>}, {transform_indices = @transform_2, window_bounds = array<i64: 1, 1, 1024>}, {transform_indices = @transform_3, window_bounds = array<i64: 1, 1024, 1024>}, {transform_indices = @transform_4, window_bounds = array<i64: 1, 1, 1024>}, {transform_indices = @transform_5, window_bounds = array<i64: 128, 1024>}]} {
    %get3A = arith.constant 0 : index
    %get3A_0 = memref.load %arg2[%get3A] : memref<1xi32, #tpu.memory_space<smem>>
    %lt3A = arith.cmpi slt, %arg0, %get3A_0 : i32
    %convert_element_type3A = arith.extui %lt3A : i1 to i32
    %cond3A = arith.constant 0 : i32
    %cond3A_1 = arith.cmpi ne, %convert_element_type3A, %cond3A : i32
    scf.if %cond3A_1 {
      %get3A_2 = arith.constant 0 : index
      %get3A_3 = arith.constant 0 : index
      %get3A_4 = vector.load %arg3[%get3A_2, %get3A_3] : memref<128x1024xf32, #tpu.memory_space<vmem>>, vector<128x1024xf32>
      %get3A_5 = arith.constant 0 : index
      %get3A_6 = arith.constant 0 : index
      %get3A_7 = arith.constant 0 : index
      %get3A_8 = vector.load %arg4[%get3A_5, %get3A_6, %get3A_7] : memref<1x1024x1024xf32, #tpu.memory_space<vmem>>, vector<1x1024x1024xf32>
      %get3A_9 = vector.shape_cast %get3A_8 : vector<1x1024x1024xf32> to vector<1024x1024xf32>
      %dot_general3A = arith.constant dense<0.000000e+00> : vector<128x1024xf32>
      %dot_general3A_10 = tpu.matmul %get3A_4, %get3A_9, %dot_general3A {dimension_numbers = #tpu.dot_dimension_numbers<[1], [0], [0], [1], [0, 0, 1, 1], [], []>, transpose_lhs_hint = false} : vector<128x1024xf32>, vector<1024x1024xf32>, vector<128x1024xf32> -> vector<128x1024xf32>
      %get3A_11 = arith.constant 0 : index
      %get3A_12 = arith.constant 0 : index
      %get3A_13 = arith.constant 0 : index
      %get3A_14 = vector.load %arg5[%get3A_11, %get3A_12, %get3A_13] : memref<1x1x1024xf32, #tpu.memory_space<vmem>>, vector<1x1x1024xf32>
      %get3A_15 = vector.shape_cast %get3A_14 : vector<1x1x1024xf32> to vector<1x1024xf32>
      %add3A = vector.broadcast %get3A_15 : vector<1x1024xf32> to vector<128x1024xf32>
      %add3A_16 = arith.addf %dot_general3A_10, %add3A : vector<128x1024xf32>
      %max3A = arith.constant 0.000000e+00 : f32
      %max3A_17 = vector.broadcast %max3A : f32 to vector<128x1024xf32>
      %max3A_18 = arith.maximumf %add3A_16, %max3A_17 : vector<128x1024xf32>
      %get3A_19 = arith.constant 0 : index
      %get3A_20 = arith.constant 0 : index
      %get3A_21 = arith.constant 0 : index
      %get3A_22 = vector.load %arg6[%get3A_19, %get3A_20, %get3A_21] : memref<1x1024x1024xf32, #tpu.memory_space<vmem>>, vector<1x1024x1024xf32>
      %get3A_23 = vector.shape_cast %get3A_22 : vector<1x1024x1024xf32> to vector<1024x1024xf32>
      %dot_general3A_24 = arith.constant dense<0.000000e+00> : vector<128x1024xf32>
      %dot_general3A_25 = tpu.matmul %max3A_18, %get3A_23, %dot_general3A_24 {dimension_numbers = #tpu.dot_dimension_numbers<[1], [0], [0], [1], [0, 0, 1, 1], [], []>, transpose_lhs_hint = false} : vector<128x1024xf32>, vector<1024x1024xf32>, vector<128x1024xf32> -> vector<128x1024xf32>
      %get3A_26 = arith.constant 0 : index
      %get3A_27 = arith.constant 0 : index
      %get3A_28 = arith.constant 0 : index
      %get3A_29 = vector.load %arg7[%get3A_26, %get3A_27, %get3A_28] : memref<1x1x1024xf32, #tpu.memory_space<vmem>>, vector<1x1x1024xf32>
      %get3A_30 = vector.shape_cast %get3A_29 : vector<1x1x1024xf32> to vector<1x1024xf32>
      %add3A_31 = vector.broadcast %get3A_30 : vector<1x1024xf32> to vector<128x1024xf32>
      %add3A_32 = arith.addf %dot_general3A_25, %add3A_31 : vector<128x1024xf32>
      %swap3A = arith.constant 0 : index
      %swap3A_33 = arith.constant 0 : index
      %swap3A_34 = vector.load %arg8[%swap3A, %swap3A_33] : memref<128x1024xf32, #tpu.memory_space<vmem>>, vector<128x1024xf32>
      tpu.vector_store %arg8[%swap3A, %swap3A_33], %add3A_32 {strides = array<i32>} : memref<128x1024xf32, #tpu.memory_space<vmem>>, vector<128x1024xf32>,
    } else {
    }
    return
  }
  func.func @transform_0(%arg0: i32, %arg1: memref<32xi32, #tpu.memory_space<smem>>, %arg2: memref<1xi32, #tpu.memory_space<smem>>) -> (i32, i32) {
    %c0_i32 = arith.constant 0 : i32
    %c0_i32_0 = arith.constant 0 : i32
    return %arg0, %c0_i32 : i32, i32
  }
  func.func @transform_1(%arg0: i32, %arg1: memref<32xi32, #tpu.memory_space<smem>>, %arg2: memref<1xi32, #tpu.memory_space<smem>>) -> (i32, i32, i32) {
    %get3A = arith.index_cast %arg0 : i32 to index
    %get3A_0 = memref.load %arg1[%get3A] : memref<32xi32, #tpu.memory_space<smem>>
    %c0_i32 = arith.constant 0 : i32
    %c0_i32_1 = arith.constant 0 : i32
    %c0_i32_2 = arith.constant 0 : i32
    return %get3A_0, %c0_i32, %c0_i32_1 : i32, i32, i32
  }
  func.func @transform_2(%arg0: i32, %arg1: memref<32xi32, #tpu.memory_space<smem>>, %arg2: memref<1xi32, #tpu.memory_space<smem>>) -> (i32, i32, i32) {
    %get3A = arith.index_cast %arg0 : i32 to index
    %get3A_0 = memref.load %arg1[%get3A] : memref<32xi32, #tpu.memory_space<smem>>
    %c0_i32 = arith.constant 0 : i32
    %c0_i32_1 = arith.constant 0 : i32
    %c0_i32_2 = arith.constant 0 : i32
    return %get3A_0, %c0_i32, %c0_i32_1 : i32, i32, i32
  }
  func.func @transform_3(%arg0: i32, %arg1: memref<32xi32, #tpu.memory_space<smem>>, %arg2: memref<1xi32, #tpu.memory_space<smem>>) -> (i32, i32, i32) {
    %get3A = arith.index_cast %arg0 : i32 to index
    %get3A_0 = memref.load %arg1[%get3A] : memref<32xi32, #tpu.memory_space<smem>>
    %c0_i32 = arith.constant 0 : i32
    %c0_i32_1 = arith.constant 0 : i32
    %c0_i32_2 = arith.constant 0 : i32
    return %get3A_0, %c0_i32, %c0_i32_1 : i32, i32, i32
  }
  func.func @transform_4(%arg0: i32, %arg1: memref<32xi32, #tpu.memory_space<smem>>, %arg2: memref<1xi32, #tpu.memory_space<smem>>) -> (i32, i32, i32) {
    %get3A = arith.index_cast %arg0 : i32 to index
    %get3A_0 = memref.load %arg1[%get3A] : memref<32xi32, #tpu.memory_space<smem>>
    %c0_i32 = arith.constant 0 : i32
    %c0_i32_1 = arith.constant 0 : i32
    %c0_i32_2 = arith.constant 0 : i32
    return %get3A_0, %c0_i32, %c0_i32_1 : i32, i32, i32
  }
  func.func @transform_5(%arg0: i32, %arg1: memref<32xi32, #tpu.memory_space<smem>>, %arg2: memref<1xi32, #tpu.memory_space<smem>>) -> (i32, i32) {
    %c0_i32 = arith.constant 0 : i32
    %c0_i32_0 = arith.constant 0 : i32
    return %arg0, %c0_i32 : i32, i32
  }
}

module attributes {stable_mosaic.version = 14 : i64} {
  func.func @_final_body(%arg0: i32, %arg1: memref<256x1024xf32, #tpu.memory_space<vmem>>, %arg2: memref<256x1024xf32, #tpu.memory_space<vmem>>, %arg3: memref<1x1024xf32, #tpu.memory_space<vmem>>, %arg4: memref<1x1024xf32, #tpu.memory_space<vmem>>, %arg5: memref<1x1024xf32, #tpu.memory_space<vmem>>, %arg6: memref<1x1024xf32, #tpu.memory_space<vmem>>, %arg7: memref<256x1024xf32, #tpu.memory_space<vmem>>) attributes {dimension_semantics = [#tpu.dimension_semantics<arbitrary>], iteration_bounds = array<i64: 8>, scalar_prefetch = 0 : i64, scratch_operands = 0 : i64, tpu.core_type = #tpu.core_type<tc>, window_params = [{transform_indices = @transform_0, window_bounds = array<i64: 256, 1024>}, {transform_indices = @transform_1, window_bounds = array<i64: 256, 1024>}, {pipeline_mode = #tpu.pipeline_mode<synchronous>, transform_indices = @transform_2, window_bounds = array<i64: 1, 1024>}, {pipeline_mode = #tpu.pipeline_mode<synchronous>, transform_indices = @transform_3, window_bounds = array<i64: 1, 1024>}, {pipeline_mode = #tpu.pipeline_mode<synchronous>, transform_indices = @transform_4, window_bounds = array<i64: 1, 1024>}, {pipeline_mode = #tpu.pipeline_mode<synchronous>, transform_indices = @transform_5, window_bounds = array<i64: 1, 1024>}, {transform_indices = @transform_6, window_bounds = array<i64: 256, 1024>}]} {
    %get3A = arith.constant 0 : index
    %get3A_0 = arith.constant 0 : index
    %get3A_1 = vector.load %arg1[%get3A, %get3A_0] : memref<256x1024xf32, #tpu.memory_space<vmem>>, vector<256x1024xf32>
    %get3A_2 = arith.constant 0 : index
    %get3A_3 = arith.constant 0 : index
    %get3A_4 = vector.load %arg2[%get3A_2, %get3A_3] : memref<256x1024xf32, #tpu.memory_space<vmem>>, vector<256x1024xf32>
    %add3A = arith.addf %get3A_1, %get3A_4 : vector<256x1024xf32>
    %get3A_5 = arith.constant 0 : index
    %get3A_6 = arith.constant 0 : index
    %get3A_7 = vector.load %arg3[%get3A_5, %get3A_6] : memref<1x1024xf32, #tpu.memory_space<vmem>>, vector<1x1024xf32>
    %get3A_8 = arith.constant 0 : index
    %get3A_9 = arith.constant 0 : index
    %get3A_10 = vector.load %arg4[%get3A_8, %get3A_9] : memref<1x1024xf32, #tpu.memory_space<vmem>>, vector<1x1024xf32>
    %reduce_sum3A = arith.constant dense<0.000000e+00> : vector<256xf32>
    %reduce_sum3A_11 = vector.multi_reduction <add>, %add3A, %reduce_sum3A [1] : vector<256x1024xf32> to vector<256xf32>
    %broadcast_in_dim3A = vector.shape_cast %reduce_sum3A_11 : vector<256xf32> to vector<256x1xf32>
    %div3A = arith.constant 1.024000e+03 : f32
    %div3A_12 = vector.broadcast %div3A : f32 to vector<256x1xf32>
    %div3A_13 = arith.divf %broadcast_in_dim3A, %div3A_12 : vector<256x1xf32>
    %sub3A = vector.broadcast %div3A_13 : vector<256x1xf32> to vector<256x1024xf32>
    %sub3A_14 = arith.subf %add3A, %sub3A : vector<256x1024xf32>
    %integer_pow3A = arith.mulf %sub3A_14, %sub3A_14 : vector<256x1024xf32>
    %reduce_sum3A_15 = arith.constant dense<0.000000e+00> : vector<256xf32>
    %reduce_sum3A_16 = vector.multi_reduction <add>, %integer_pow3A, %reduce_sum3A_15 [1] : vector<256x1024xf32> to vector<256xf32>
    %broadcast_in_dim3A_17 = vector.shape_cast %reduce_sum3A_16 : vector<256xf32> to vector<256x1xf32>
    %div3A_18 = arith.constant 1.024000e+03 : f32
    %div3A_19 = vector.broadcast %div3A_18 : f32 to vector<256x1xf32>
    %div3A_20 = arith.divf %broadcast_in_dim3A_17, %div3A_19 : vector<256x1xf32>
    %sub3A_21 = vector.broadcast %div3A_13 : vector<256x1xf32> to vector<256x1024xf32>
    %sub3A_22 = arith.subf %add3A, %sub3A_21 : vector<256x1024xf32>
    %add3A_23 = arith.constant 9.99999974E-6 : f32
    %add3A_24 = vector.broadcast %add3A_23 : f32 to vector<256x1xf32>
    %add3A_25 = arith.addf %div3A_20, %add3A_24 : vector<256x1xf32>
    %rsqrt3A = math.rsqrt %add3A_25 : vector<256x1xf32>
    %mul3A = vector.broadcast %rsqrt3A : vector<256x1xf32> to vector<256x1024xf32>
    %mul3A_26 = arith.mulf %sub3A_22, %mul3A : vector<256x1024xf32>
    %mul3A_27 = vector.broadcast %get3A_7 : vector<1x1024xf32> to vector<256x1024xf32>
    %mul3A_28 = arith.mulf %mul3A_26, %mul3A_27 : vector<256x1024xf32>
    %add3A_29 = vector.broadcast %get3A_10 : vector<1x1024xf32> to vector<256x1024xf32>
    %add3A_30 = arith.addf %mul3A_28, %add3A_29 : vector<256x1024xf32>
    %add3A_31 = arith.addf %get3A_1, %add3A_30 : vector<256x1024xf32>
    %get3A_32 = arith.constant 0 : index
    %get3A_33 = arith.constant 0 : index
    %get3A_34 = vector.load %arg5[%get3A_32, %get3A_33] : memref<1x1024xf32, #tpu.memory_space<vmem>>, vector<1x1024xf32>
    %get3A_35 = arith.constant 0 : index
    %get3A_36 = arith.constant 0 : index
    %get3A_37 = vector.load %arg6[%get3A_35, %get3A_36] : memref<1x1024xf32, #tpu.memory_space<vmem>>, vector<1x1024xf32>
    %reduce_sum3A_38 = arith.constant dense<0.000000e+00> : vector<256xf32>
    %reduce_sum3A_39 = vector.multi_reduction <add>, %add3A_31, %reduce_sum3A_38 [1] : vector<256x1024xf32> to vector<256xf32>
    %broadcast_in_dim3A_40 = vector.shape_cast %reduce_sum3A_39 : vector<256xf32> to vector<256x1xf32>
    %div3A_41 = arith.constant 1.024000e+03 : f32
    %div3A_42 = vector.broadcast %div3A_41 : f32 to vector<256x1xf32>
    %div3A_43 = arith.divf %broadcast_in_dim3A_40, %div3A_42 : vector<256x1xf32>
    %sub3A_44 = vector.broadcast %div3A_43 : vector<256x1xf32> to vector<256x1024xf32>
    %sub3A_45 = arith.subf %add3A_31, %sub3A_44 : vector<256x1024xf32>
    %integer_pow3A_46 = arith.mulf %sub3A_45, %sub3A_45 : vector<256x1024xf32>
    %reduce_sum3A_47 = arith.constant dense<0.000000e+00> : vector<256xf32>
    %reduce_sum3A_48 = vector.multi_reduction <add>, %integer_pow3A_46, %reduce_sum3A_47 [1] : vector<256x1024xf32> to vector<256xf32>
    %broadcast_in_dim3A_49 = vector.shape_cast %reduce_sum3A_48 : vector<256xf32> to vector<256x1xf32>
    %div3A_50 = arith.constant 1.024000e+03 : f32
    %div3A_51 = vector.broadcast %div3A_50 : f32 to vector<256x1xf32>
    %div3A_52 = arith.divf %broadcast_in_dim3A_49, %div3A_51 : vector<256x1xf32>
    %sub3A_53 = vector.broadcast %div3A_43 : vector<256x1xf32> to vector<256x1024xf32>
    %sub3A_54 = arith.subf %add3A_31, %sub3A_53 : vector<256x1024xf32>
    %add3A_55 = arith.constant 9.99999974E-6 : f32
    %add3A_56 = vector.broadcast %add3A_55 : f32 to vector<256x1xf32>
    %add3A_57 = arith.addf %div3A_52, %add3A_56 : vector<256x1xf32>
    %rsqrt3A_58 = math.rsqrt %add3A_57 : vector<256x1xf32>
    %mul3A_59 = vector.broadcast %rsqrt3A_58 : vector<256x1xf32> to vector<256x1024xf32>
    %mul3A_60 = arith.mulf %sub3A_54, %mul3A_59 : vector<256x1024xf32>
    %mul3A_61 = vector.broadcast %get3A_34 : vector<1x1024xf32> to vector<256x1024xf32>
    %mul3A_62 = arith.mulf %mul3A_60, %mul3A_61 : vector<256x1024xf32>
    %add3A_63 = vector.broadcast %get3A_37 : vector<1x1024xf32> to vector<256x1024xf32>
    %add3A_64 = arith.addf %mul3A_62, %add3A_63 : vector<256x1024xf32>
    %swap3A = arith.constant 0 : index
    %swap3A_65 = arith.constant 0 : index
    %swap3A_66 = vector.load %arg7[%swap3A, %swap3A_65] : memref<256x1024xf32, #tpu.memory_space<vmem>>, vector<256x1024xf32>
    tpu.vector_store %arg7[%swap3A, %swap3A_65], %add3A_64 {strides = array<i32>} : memref<256x1024xf32, #tpu.memory_space<vmem>>, vector<256x1024xf32>,
    return
  }
  func.func @transform_0(%arg0: i32) -> (i32, i32) {
    %c0_i32 = arith.constant 0 : i32
    %c0_i32_0 = arith.constant 0 : i32
    return %arg0, %c0_i32 : i32, i32
  }
  func.func @transform_1(%arg0: i32) -> (i32, i32) {
    %c0_i32 = arith.constant 0 : i32
    %c0_i32_0 = arith.constant 0 : i32
    return %arg0, %c0_i32 : i32, i32
  }
  func.func @transform_2(%arg0: i32) -> (i32, i32) {
    %c0_i32 = arith.constant 0 : i32
    %c0_i32_0 = arith.constant 0 : i32
    %c0_i32_1 = arith.constant 0 : i32
    return %c0_i32, %c0_i32_0 : i32, i32
  }
  func.func @transform_3(%arg0: i32) -> (i32, i32) {
    %c0_i32 = arith.constant 0 : i32
    %c0_i32_0 = arith.constant 0 : i32
    %c0_i32_1 = arith.constant 0 : i32
    return %c0_i32, %c0_i32_0 : i32, i32
  }
  func.func @transform_4(%arg0: i32) -> (i32, i32) {
    %c0_i32 = arith.constant 0 : i32
    %c0_i32_0 = arith.constant 0 : i32
    %c0_i32_1 = arith.constant 0 : i32
    return %c0_i32, %c0_i32_0 : i32, i32
  }
  func.func @transform_5(%arg0: i32) -> (i32, i32) {
    %c0_i32 = arith.constant 0 : i32
    %c0_i32_0 = arith.constant 0 : i32
    %c0_i32_1 = arith.constant 0 : i32
    return %c0_i32, %c0_i32_0 : i32, i32
  }
  func.func @transform_6(%arg0: i32) -> (i32, i32) {
    %c0_i32 = arith.constant 0 : i32
    %c0_i32_0 = arith.constant 0 : i32
    return %arg0, %c0_i32 : i32, i32
  }
}

</mosaic_0001>

<sc_bundles>
// kernel: kernel.10.cloned.1.call-start
scs
__scs_entry_jumppad:
0x0: {  	(pc) =	sbr.rel $0x88, $3  }
0x1: {  	(tag) =	ssettag $0x0;
	lr =	simm.s32 $0x1  }
0x2: {  	[smem:$0x3F8E] =	sst lr;
	_ =	strace $0xD0000000  }
0x3: {  	_ = 	snop  }
0x4: {  	_ = 	snop  }
0x5: {  	_ = 	snop  }
0x6: {  	_ = 	snop  }
0x7: {  	_ = 	snop  }
__scs_overlays_trampoline_lowered:
0x8: {  	[smem:$0x3F9D] =	sst s0  }
0x9: {  	[smem:$0x3F9E] =	sst s1  }
0xa: {  	[smem:$0x3F9F] =	sst s2  }
0xb: {  	[smem:$0x3FA0] =	sst s3  }
0xc: {  	[smem:$0x3FA1] =	sst s4  }
0xd: {  	[smem:$0x3FA2] =	sst s5  }
0xe: {  	[smem:$0x3FA3] =	sst s6  }
0xf: {  	[smem:$0x3FA4] =	sst s7  }
0x10: {  	[smem:$0x3FA5] =	sst s8  }
0x11: {  	[smem:$0x3FA6] =	sst s9;
	s0 =	simm.s32 @!p0 $0x0  }
0x12: {  	s1 =	sld [smem:$0x3F8C];
	s0 =	simm.s32 @p0 $0x1  }
0x13: {  	[smem:$0x3FA7] =	sst s0;
	s0 =	simm.s32 @!p1 $0x0  }
0x14: {  	s2 =	sld [smem:$0x3F8B];
	s0 =	simm.s32 @p1 $0x1  }
0x15: {  	[smem:$0x3FA8] =	sst s0;
	s0 =	simm.s32 @!p2 $0x0  }
0x16: {  	s3 =	sld [smem:$0x3FDB];
	s0 =	simm.s32 @p2 $0x1  }
0x17: {  	s4 =	simm.s32 $0x1BF5;
	[smem:$0x3FAA] =	sst s0  }
0x18: {  	s0 =	sld [smem:$0x3F8D];
	_ =	swait.ge [sflag:s4], $0x0  }
0x19: {  	s7 =	sld [smem:$0x3F8E]  }
0x1a: {  	s8 =	sadd.s32 $0xFFFFE003, lr  }
0x1b: {  	s9 =	sadd.s32 $0xFFFFFEF7, lr;
	s5 =	simm.s32 $0xFFFFFFFF;
	p2 =	slt.u32 s8, $0xFFFFF086  }
0x1c: {  	p1 =	slt.u32 s9, $0xF7A;
	s5 =	simm.s32 @!p2 $0x0  }
0x1d: {  	s5 =	simm.s32 @p1 $0x1;
	p0 =	seq.s32 s7, s2  }
0x1e: {  	s7 =	smul.u32 @!p0 $0xF7A, s2;
	p2 =	seq.s32 @!p0 s5, $0x0  }
0x1f: {  	s9 =	smul.u32 $0xF7A, s1;
	s8 =	simm.s32 @!p0 $0x1BF5;
	p2 =	por !p2, p0  }
0x20: {  	[sflag:s8] =	ssyncset.s32 @!p0 $0xFFFFF086;
	s6 =	sadd.s32 @!p0 s3, s7;
	s7 =	simm.s32 @!p0 $0x108  }
0x21: {  	s3 =	sadd.s32 s3, s9;
	s6 =	sadd.s32 @!p0 $0x88, s6;
	s7 =	simm.s32 @p2 $0x1082  }
0x22: {  	[simem:s7], [sflag:s8] =	dma.local @!p0 [hbm:s6], $0xF7A  }
0x23: {  	s9 =	sor.u32 $0xD0000000, s2;
	s6 =	simm.s32 $0x108;
	_ =	swait.ge @!p0 [sflag:s8], $0x0  }
0x24: {  	s3 =	sadd.s32 $0x88, s3;
	s6 =	simm.s32 @!p1 $0x1082;
	[sflag:s4] =	ssyncset.s32 $0xFFFFF086  }
0x25: {  	[simem:s6], [sflag:s4] =	dma.local [hbm:s3], $0xF7A  }
0x26: {  	[smem:$0x3F8E] =	sst s1;
	(tag) =	ssettag s2;
	_ =	strace s9  }
0x27: {  	s1 =	sld [smem:$0x3F9E]  }
0x28: {  	s2 =	sld [smem:$0x3F9F]  }
0x29: {  	s4 =	sld [smem:$0x3FA1]  }
0x2a: {  	p0 =	seq.s32 s5, $0x0;
	s5 =	sld [smem:$0x3FA2]  }
0x2b: {  	s6 =	sld [smem:$0x3FA3]  }
0x2c: {  	s7 =	sld [smem:$0x3FA4]  }
0x2d: {  	s3 =	simm.s32 $0x108;
	s8 =	sld [smem:$0x3FA5]  }
0x2e: {  	s3 =	simm.s32 @!p0 $0x1082;
	s9 =	sld [smem:$0x3FA6]  }
0x2f: {  	lr =	sadd.s32 s0, s3;
	s0 =	sld [smem:$0x3F9D]  }
0x30: {  	s3 =	sld [smem:$0x3FA0]  }
0x31: {  	[smem:$0x3FA9] =	sst s10  }
0x32: {  	s10 =	sld [smem:$0x3FA7];
	_ =	sdelay $0x3  }
0x33: {  	p0 =	seq.s32 s10, $0x1;
	s10 =	sld [smem:$0x3FA9];
	_ =	sdelay $0x3  }
0x34: {  	[smem:$0x3FA9] =	sst s10  }
0x35: {  	s10 =	sld [smem:$0x3FA8];
	_ =	sdelay $0x3  }
0x36: {  	p1 =	seq.s32 s10, $0x1;
	s10 =	sld [smem:$0x3FA9];
	_ =	sdelay $0x3  }
0x37: {  	[smem:$0x3FA9] =	sst s10  }
0x38: {  	s10 =	sld [smem:$0x3FAA]  }
0x39: {  	_ = 	snop;
	(pc) =	sbr.ind lr, $3  }
0x3a: {  	_ = 	snop  }
0x3b: {  	_ = 	snop  }
0x3c: {  	p2 =	seq.s32 s10, $0x1;
	s10 =	sld [smem:$0x3FA9]  }
0x3d: {  	_ =	shalt  }
0x3e: {  	_ =	shalt  }
0x3f: {  	_ =	shalt  }
0x40: {  	_ =	shalt  }
0x41: {  	_ =	shalt  }
0x42: {  	_ =	shalt  }
0x43: {  	_ =	shalt  }
0x44: {  	_ =	shalt  }
0x45: {  	_ =	shalt  }
0x46: {  	_ =	shalt  }
0x47: {  	_ =	shalt  }
0x48: {  	_ =	shalt  }
0x49: {  	_ =	shalt  }
0x4a: {  	_ =	shalt  }
0x4b: {  	_ =	shalt  }
0x4c: {  	_ =	shalt  }
0x4d: {  	_ =	shalt  }
0x4e: {  	_ =	shalt  }
0x4f: {  	_ =	shalt  }
0x50: {  	_ =	shalt  }
0x51: {  	_ =	shalt  }
0x52: {  	_ =	shalt  }
0x53: {  	_ =	shalt  }
0x54: {  	_ =	shalt  }
0x55: {  	_ =	shalt  }
0x56: {  	_ =	shalt  }
0x57: {  	_ =	shalt  }
0x58: {  	_ =	shalt  }
0x59: {  	_ =	shalt  }
0x5a: {  	_ =	shalt  }
0x5b: {  	_ =	shalt  }
0x5c: {  	_ =	shalt  }
0x5d: {  	_ =	shalt  }
0x5e: {  	_ =	shalt  }
0x5f: {  	_ =	shalt  }
0x60: {  	_ =	shalt  }
0x61: {  	_ =	shalt  }
0x62: {  	_ =	shalt  }
0x63: {  	_ =	shalt  }
0x64: {  	_ =	shalt  }
0x65: {  	_ =	shalt  }
0x66: {  	_ =	shalt  }
0x67: {  	_ =	shalt  }
0x68: {  	_ =	shalt  }
0x69: {  	_ =	shalt  }
0x6a: {  	_ =	shalt  }
0x6b: {  	_ =	shalt  }
0x6c: {  	_ =	shalt  }
0x6d: {  	_ =	shalt  }
0x6e: {  	_ =	shalt  }
0x6f: {  	_ =	shalt  }
0x70: {  	_ =	shalt  }
0x71: {  	_ =	shalt  }
0x72: {  	_ =	shalt  }
0x73: {  	_ =	shalt  }
0x74: {  	_ =	shalt  }
0x75: {  	_ =	shalt  }
0x76: {  	_ =	shalt  }
0x77: {  	_ =	shalt  }
0x78: {  	_ =	shalt  }
0x79: {  	_ =	shalt  }
0x7a: {  	_ =	shalt  }
0x7b: {  	_ =	shalt  }
0x7c: {  	_ =	shalt  }
0x7d: {  	_ =	shalt  }
0x7e: {  	_ =	shalt  }
0x7f: {  	_ =	shalt  }
0x80: {  	_ =	shalt  }
0x81: {  	_ =	shalt  }
0x82: {  	_ =	shalt  }
0x83: {  	_ =	shalt  }
0x84: {  	_ =	shalt  }
0x85: {  	_ =	shalt  }
0x86: {  	_ =	shalt  }
0x87: {  	_ =	shalt  }
.Lfunc_end0:
.L_simem_size_0:
called_computation_lowered:
.L_overlay_start_0:
0x88: {  	s2 =	sld [smem:$0x3FD9]  }
0x89: {  	s3 =	sld [smem:$0x3FFE];
	_ =	sdelay $0x1  }
0x8a: {  	s1 =	srdreg.scid  }
0x8b: {  	s0 =	sand.u32 $0x1, s1  }
0x8c: {  	s17 =	sshll.u32 s0, $0xA;
	s2 =	sadd.s32 s3, s2  }
0x8d: {  	s2 =	sadd.s32 s2, s17  }
0x8e: {  	[smem:$0x3FB5] =	sst s2  }
0x8f: {  	_ = 	snop  }
0x90: {  	s2 =	sld [smem:$0x3FD0];
	(tm) =	ssettm $0x1  }
0x91: {  	s18 =	sld [smem:$0x3FFB];
	_ =	sdelay $0x3  }
0x92: {  	_ =	strace s18  }
0x93: {  	s3 =	sld [smem:$0x3FFC];
	_ =	sdelay $0x3  }
0x94: {  	_ =	strace s3  }
0x95: {  	s3 =	sld [smem:$0x3FFD];
	_ =	sdelay $0x3  }
0x96: {  	_ =	strace s3  }
0x97: {  	_ =	strace $0x8FFFFFFF  }
0x98: {  	s19 =	sld [smem:$0x3FDB];
	_ =	sdelay $0x1  }
0x99: {  	s4 =	simm.s32 $_scs_section_size  }
0x9a: {  	s5 =	simm.s32 $_size__tile_overlayer_lowered;
	s6 =	simm.s32 $_tile_overlayer_lowered  }
0x9b: {  	s22 =	simm.s32 $0x1BFF;
	s21 =	sshll.u32 s6, $0x1;
	s3 =	sadd.s32 s4, s19  }
0x9c: {  	s7 =	simm.s32 $0x0;
	s20 =	sshll.u32 s5, $0x1;
	s5 =	sadd.s32 s21, s3  }
0x9d: {  	[timem:s7], [sflag:s22] =	dma.local [hbm:s5], s20  }
0x9e: {  	_ =	swait.ge [sflag:s22], s20  }
0x9f: {  	s4 =	ssub.s32 $0x0, s20;
	[sflag:s22] =	ssyncset.done $0x0  }
0xa0: {  	[sflag:s22] =	ssyncadd.s32 s4;
	_ =	sdelay $0x1  }
0xa1: {  	s23 =	simm.s32 $0x1B8B  }
0xa2: {  	_ =	swait.ge [sflag:s23], $0x1  }
0xa3: {  	[sflag:s23] =	ssyncset.done $0x0  }
0xa4: {  	s25 =	simm.s32 $0x1B8E;
	s24 =	sld [smem:$0x3FFE];
	[sflag:s23] =	ssyncadd.s32 $0xFFFFFFFF  }
0xa5: {  	s26 =	simm.s32 $execute0_lowered;
	[smem:$0x3FD2] =	sst s25  }
0xa6: {  	s5 =	sshll.u32 s26, $0x1;
	_ =	strace $0x80000046;
	[dreg:$0x1] =	wrdreg $0xFFFFFFFF  }
0xa7: {  	s28 =	simm.s32 $_size_execute0_lowered;
	s3 =	sadd.s32 s3, s5;
	[dreg:$0x0] =	wrdreg $0x0  }
0xa8: {  	s5 =	sshll.u32 s28, $0x1;
	[dreg:$0x2] =	wrdreg s3  }
0xa9: {  	[dreg:$0x3] =	wrdreg s5  }
0xaa: {  	[dreg:$0x4] =	wrdreg $0xC0  }
0xab: {  	_ =	task [dreg:s7], $0x5FFFF  }
0xac: {  	[dreg:$0x1] =	wrdreg $0xFFFFFFFF  }
0xad: {  	[dreg:$0x0] =	wrdreg $0x60  }
0xae: {  	[dreg:$0x2] =	wrdreg s2  }
0xaf: {  	[dreg:$0x3] =	wrdreg s24  }
0xb0: {  	[dreg:$0x4] =	wrdreg $0x9  }
0xb1: {  	_ =	task.clear_ibuf [dreg:s7], $0x5FFFF;
	_ =	strace $0x90000046  }
0xb2: {  	s29 =	simm.s32 $0x9;
	_ =	strace $0x80000048  }
0xb3: {  	_ =	swait.ge [sflag:s29], $0x1  }
0xb4: {  	[sflag:s29] =	ssyncadd.s32 $0xFFFFFFFF  }
0xb5: {  	_ =	strace $0x90000048  }
0xb6: {  	_ =	sfence  }
0xb7: {  	s30 =	sld [smem:$0x0];
	_ =	sdelay $0x2  }
0xb8: {  	s31 =	sshll.u32 s1, $0xD;
	s1 =	sshrl.u32 s1, $0x2  }
0xb9: {  	s3 =	sand.u32 $0x4000, s31;
	s1 =	sadd.s32 s1, s30  }
0xba: {  	s0 =	sor.u32 s3, s0;
	s1 =	sshll.u32 s1, $0x11  }
0xbb: {  	s0 =	sor.u32 s1, s0  }
0xbc: {  	s0 =	sadd.s32 $0x8F2B, s0  }
0xbd: {  	[sflag:s0] =	ssyncadd.remote.s32 $0x1  }
0xbe: {  	_ =	sfence.sel $0xFFFF  }
0xbf: {  	[dreg:$0x0] =	wrdreg $0xFFFFFFFF;
	(pc) =	sbr.abs _section_cstart, $3  }
0xc0: {  	[dreg:$0x1] =	wrdreg $0xFFFFFFFF  }
0xc1: {  	_ =	task.clear_ibuf [dreg:s7], $0x2FFFF;
	_ =	strace $0x9FFFFFFF  }
0xc2: {  	(tm) =	ssettm $0x7FFFFFFF  }
0xc3: {  	_ =	shalt  }
tec
execute0_lowered:
.L_overlay_start_1:
0x0: {  	(tag) =	ssettag $0x1  }
0x1: {  	s1 =	srdreg.scid  }
0x2: {  	s0 =	stileid.u32;
	s3 =	rddreg [dreg:$0x0]  }
0x3: {  	s6 =	rddreg [dreg:$0x1];
	s18 =	simm.s32 $0x880;
	s19 =	simm.s32 $0x1080  }
0x4: {  	s20 =	simm.s32 $0x1880;
	s22 =	simm.s32 $0x2080;
	s23 =	simm.s32 $0x2880  }
0x5: {  	s7 =	simm.s32 $0x3080;
	s24 =	simm.s32 $0x3880;
	s8 =	simm.s32 $0x4080  }
0x6: {  	s25 =	simm.s32 $0x4880;
	s26 =	simm.s32 $0x5080;
	s1 =	sand.u32 $0x1, s1  }
0x7: {  	s9 =	simm.s32 $0x80;
	s2 =	sshll.u32 s0, $0x7;
	s4 =	sshll.u32 s1, $0x6  }
0x8: {  	s11 =	simm.s32 $0x6080;
	s4 =	sor.u32 s4, s2;
	s2 =	simm.s32 $0x0  }
0x9: {  	s12 =	simm.s32 $0x6880;
	s13 =	simm.s32 $0x7080;
	[smem:$0x7FF] =	sst s2  }
0xa: {  	s14 =	simm.s32 $0x7880;
	_ =	strace $0x80000047;
	[dreg:$0x5] =	wrdreg s18  }
0xb: {  	s15 =	simm.s32 $0x8080;
	s16 =	simm.s32 $0x8880;
	[dreg:$0x6] =	wrdreg s19  }
0xc: {  	s17 =	simm.s32 $0x9080;
	s28 =	simm.s32 $0xE080;
	[dreg:$0x7] =	wrdreg s20  }
0xd: {  	s29 =	simm.s32 $0xE880;
	s30 =	simm.s32 $0xF080;
	[dreg:$0x8] =	wrdreg s22  }
0xe: {  	s31 =	simm.s32 $0xF880;
	s1 =	ssub.s32 $0x2, s1;
	[dreg:$0x9] =	wrdreg s23  }
0xf: {  	s21 =	sshrl.u32 s1, $0x1;
	s5 =	sshrl.u32 s4, $0x3;
	[dreg:$0xa] =	wrdreg s7  }
0x10: {  	s4 =	sshll.u32 s4, $0x7;
	s1 =	ssub.s32 s1, s21;
	[dreg:$0xb] =	wrdreg s24  }
0x11: {  	s21 =	simm.s32 $0xB080;
	s5 =	sadd.s32 s5, s6;
	[dreg:$0xc] =	wrdreg s8  }
0x12: {  	s3 =	sadd.s32 s3, s4;
	s4 =	sadd.s32 $0x3500, s6;
	[dreg:$0xd] =	wrdreg s25  }
0x13: {  	s7 =	smax.u32 s1, $0x1;
	s8 =	simm.s32 $0x2;
	[dreg:$0xe] =	wrdreg s26  }
0x14: {  	s18 =	simm.s32 $0x9880;
	s19 =	simm.s32 $0xA080;
	s20 =	simm.s32 $0xA880  }
0x15: {  	s22 =	simm.s32 $0xB880;
	s23 =	simm.s32 $0xC080;
	s24 =	simm.s32 $0xC880  }
0x16: {  	v2 =	vlaneseq.u32;
	s25 =	simm.s32 $0xD080;
	s26 =	simm.s32 $0xD880;
	s1 =	simm.s32 $0x1  }
0x17: {  	vm0 =	vmmov $0xffff;
	v1 =	vshrl.u32 v2, $0x3;
	s5 =	sadd.s32 $0x3200, s5;
	[dreg:$0x4] =	wrdreg s3;
	s3 =	sadd.s32 $0x3400, s6  }
0x18: {  	v0 =	vand.u32 $0x7, v2;
	v2 =	vor.u32 $0x8, v2;
	v1 =	vmul.u32 $0x8, v1;
	[dreg:$0x3] =	wrdreg s5;
	s5 =	sadd.s32 $0x3600, s6;
	s6 =	sadd.s32 $0x3700, s6  }
.LBB2_1:
0x19: {  	s0 =	rddreg [dreg:$0x3]  }
0x1a: {  	[tilespmem:s2], [sflag:$0x2] =	stream.linear.gather [hbm4b:s0+s2], $0x40, $0x38;
	[tilespmem:$0x10080] =	vst v63  }
0x1b: {  	_ =	swait.ge [sflag:s8], $0x40  }
0x1c: {  	[sflag:s8] =	ssyncset.done $0x0  }
0x1d: {  	s10 =	rddreg [dreg:$0x4];
	[sflag:s8] =	ssyncadd.s32 $0xFFFFFFC0  }
0x1e: {  	[tilespmem:s9], [sflag:$0x2] =	stream.linear.gather [hbm4b:s10+s2], $0x10000, $0x38;
	[tilespmem:$0x10080] =	vst v63  }
0x1f: {  	_ =	swait.ge [sflag:s8], $0x10000  }
0x20: {  	[sflag:s8] =	ssyncset.done $0x0  }
0x21: {  	[sflag:s8] =	ssyncadd.s32 $0xFFFF0000  }
0x22: {  	v3 =	vld [tilespmem:$0x0];
	_ =	sdelay $0x4  }
0x23: {  	v4 =	vshll.u32 v3, $0x3  }
0x24: {  	v3 =	vand.u32 $0x7, v3;
	v4 =	vand.u32 $0xFFFFFFC0, v4  }
0x25: {  	v3 =	vor.u32 v3, v4  }
0x26: {  	v4 =	vperm.xlane v3, v0;
	_ =	sdelay $0x1  }
0x27: {  	v4 =	vadd.s32 v1, v4;
	_ =	sdelay $0x4  }
0x28: {  	[hbm4b:s3+s2] =	stream.indirect_vreg.scatter [tilespmem:s9], [sflag:$0x1], $0x80, v4, vm0, $0xb8;
	[tilespmem:$0x10080] =	vst v63  }
0x29: {  	s0 =	rddreg [dreg:$0x5];
	v3 =	vperm.xlane v3, v2  }
0x2a: {  	[hbm4b:s4+s2] =	stream.indirect_vreg.scatter [tilespmem:s0], [sflag:$0x1], $0x80, v4, vm0, $0xb8;
	[tilespmem:$0x10080] =	vst v63  }
0x2b: {  	s10 =	rddreg [dreg:$0x6];
	v3 =	vadd.s32 v1, v3  }
0x2c: {  	[hbm4b:s5+s2] =	stream.indirect_vreg.scatter [tilespmem:s10], [sflag:$0x1], $0x80, v4, vm0, $0xb8;
	[tilespmem:$0x10080] =	vst v63  }
0x2d: {  	s0 =	rddreg [dreg:$0x7]  }
0x2e: {  	[hbm4b:s6+s2] =	stream.indirect_vreg.scatter [tilespmem:s0], [sflag:$0x1], $0x80, v4, vm0, $0xb8;
	[tilespmem:$0x10080] =	vst v63  }
0x2f: {  	s10 =	rddreg [dreg:$0x8]  }
0x30: {  	[hbm4b:s3+s2] =	stream.indirect_vreg.scatter [tilespmem:s10], [sflag:$0x1], $0x80, v3, vm0, $0xb8;
	[tilespmem:$0x10080] =	vst v63  }
0x31: {  	s0 =	rddreg [dreg:$0x9]  }
0x32: {  	[hbm4b:s4+s2] =	stream.indirect_vreg.scatter [tilespmem:s0], [sflag:$0x1], $0x80, v3, vm0, $0xb8;
	[tilespmem:$0x10080] =	vst v63  }
0x33: {  	s10 =	rddreg [dreg:$0xa]  }
0x34: {  	[hbm4b:s5+s2] =	stream.indirect_vreg.scatter [tilespmem:s10], [sflag:$0x1], $0x80, v3, vm0, $0xb8;
	[tilespmem:$0x10080] =	vst v63  }
0x35: {  	s0 =	rddreg [dreg:$0xb]  }
0x36: {  	[hbm4b:s6+s2] =	stream.indirect_vreg.scatter [tilespmem:s0], [sflag:$0x1], $0x80, v3, vm0, $0xb8;
	[tilespmem:$0x10080] =	vst v63  }
0x37: {  	v3 =	vld [tilespmem:$0x10];
	_ =	sdelay $0x4  }
0x38: {  	v61 =	vshll.u32 v3, $0x3  }
0x39: {  	v3 =	vand.u32 $0x7, v3;
	v4 =	vand.u32 $0xFFFFFFC0, v61  }
0x3a: {  	v3 =	vor.u32 v3, v4  }
0x3b: {  	v4 =	vperm.xlane v3, v0;
	_ =	sdelay $0x1  }
0x3c: {  	v4 =	vadd.s32 v1, v4;
	_ =	sdelay $0x3  }
0x3d: {  	s0 =	rddreg [dreg:$0xc]  }
0x3e: {  	[hbm4b:s3+s2] =	stream.indirect_vreg.scatter [tilespmem:s0], [sflag:$0x1], $0x80, v4, vm0, $0xb8;
	[tilespmem:$0x10080] =	vst v63  }
0x3f: {  	s10 =	rddreg [dreg:$0xd];
	v3 =	vperm.xlane v3, v2  }
0x40: {  	[hbm4b:s4+s2] =	stream.indirect_vreg.scatter [tilespmem:s10], [sflag:$0x1], $0x80, v4, vm0, $0xb8;
	[tilespmem:$0x10080] =	vst v63  }
0x41: {  	v3 =	vadd.s32 v1, v3;
	s0 =	rddreg [dreg:$0xe]  }
0x42: {  	[hbm4b:s5+s2] =	stream.indirect_vreg.scatter [tilespmem:s0], [sflag:$0x1], $0x80, v4, vm0, $0xb8;
	[tilespmem:$0x10080] =	vst v63  }
0x43: {  	s10 =	simm.s32 $0x5880  }
0x44: {  	[hbm4b:s6+s2] =	stream.indirect_vreg.scatter [tilespmem:s10], [sflag:$0x1], $0x80, v4, vm0, $0xb8;
	[tilespmem:$0x10080] =	vst v63  }
0x45: {  	_ = 	snop  }
0x46: {  	[hbm4b:s3+s2] =	stream.indirect_vreg.scatter [tilespmem:s11], [sflag:$0x1], $0x80, v3, vm0, $0xb8;
	[tilespmem:$0x10080] =	vst v63  }
0x47: {  	_ = 	snop  }
0x48: {  	[hbm4b:s4+s2] =	stream.indirect_vreg.scatter [tilespmem:s12], [sflag:$0x1], $0x80, v3, vm0, $0xb8;
	[tilespmem:$0x10080] =	vst v63  }
0x49: {  	_ = 	snop  }
0x4a: {  	[hbm4b:s5+s2] =	stream.indirect_vreg.scatter [tilespmem:s13], [sflag:$0x1], $0x80, v3, vm0, $0xb8;
	[tilespmem:$0x10080] =	vst v63  }
0x4b: {  	_ = 	snop  }
0x4c: {  	[hbm4b:s6+s2] =	stream.indirect_vreg.scatter [tilespmem:s14], [sflag:$0x1], $0x80, v3, vm0, $0xb8;
	[tilespmem:$0x10080] =	vst v63  }
0x4d: {  	v3 =	vld [tilespmem:$0x20];
	_ =	sdelay $0x4  }
0x4e: {  	v62 =	vshll.u32 v3, $0x3  }
0x4f: {  	v3 =	vand.u32 $0x7, v3;
	v4 =	vand.u32 $0xFFFFFFC0, v62  }
0x50: {  	v3 =	vor.u32 v3, v4  }
0x51: {  	v4 =	vperm.xlane v3, v0;
	_ =	sdelay $0x1  }
0x52: {  	v4 =	vadd.s32 v1, v4;
	_ =	sdelay $0x4  }
0x53: {  	[hbm4b:s3+s2] =	stream.indirect_vreg.scatter [tilespmem:s15], [sflag:$0x1], $0x80, v4, vm0, $0xb8;
	[tilespmem:$0x10080] =	vst v63  }
0x54: {  	v3 =	vperm.xlane v3, v2  }
0x55: {  	[hbm4b:s4+s2] =	stream.indirect_vreg.scatter [tilespmem:s16], [sflag:$0x1], $0x80, v4, vm0, $0xb8;
	[tilespmem:$0x10080] =	vst v63  }
0x56: {  	v3 =	vadd.s32 v1, v3  }
0x57: {  	[hbm4b:s5+s2] =	stream.indirect_vreg.scatter [tilespmem:s17], [sflag:$0x1], $0x80, v4, vm0, $0xb8;
	[tilespmem:$0x10080] =	vst v63  }
0x58: {  	_ = 	snop  }
0x59: {  	[hbm4b:s6+s2] =	stream.indirect_vreg.scatter [tilespmem:s18], [sflag:$0x1], $0x80, v4, vm0, $0xb8;
	[tilespmem:$0x10080] =	vst v63  }
0x5a: {  	_ = 	snop  }
0x5b: {  	[hbm4b:s3+s2] =	stream.indirect_vreg.scatter [tilespmem:s19], [sflag:$0x1], $0x80, v3, vm0, $0xb8;
	[tilespmem:$0x10080] =	vst v63  }
0x5c: {  	_ = 	snop  }
0x5d: {  	[hbm4b:s4+s2] =	stream.indirect_vreg.scatter [tilespmem:s20], [sflag:$0x1], $0x80, v3, vm0, $0xb8;
	[tilespmem:$0x10080] =	vst v63  }
0x5e: {  	_ = 	snop  }
0x5f: {  	[hbm4b:s5+s2] =	stream.indirect_vreg.scatter [tilespmem:s21], [sflag:$0x1], $0x80, v3, vm0, $0xb8;
	[tilespmem:$0x10080] =	vst v63  }
0x60: {  	_ = 	snop  }
0x61: {  	[hbm4b:s6+s2] =	stream.indirect_vreg.scatter [tilespmem:s22], [sflag:$0x1], $0x80, v3, vm0, $0xb8;
	[tilespmem:$0x10080] =	vst v63  }
0x62: {  	v3 =	vld [tilespmem:$0x30];
	_ =	sdelay $0x4  }
0x63: {  	v63 =	vshll.u32 v3, $0x3  }
0x64: {  	v3 =	vand.u32 $0x7, v3;
	v4 =	vand.u32 $0xFFFFFFC0, v63  }
0x65: {  	v3 =	vor.u32 v3, v4  }
0x66: {  	v4 =	vperm.xlane v3, v0;
	_ =	sdelay $0x1  }
0x67: {  	v4 =	vadd.s32 v1, v4;
	_ =	sdelay $0x4  }
0x68: {  	[hbm4b:s3+s2] =	stream.indirect_vreg.scatter [tilespmem:s23], [sflag:$0x1], $0x80, v4, vm0, $0xb8;
	[tilespmem:$0x10080] =	vst v63  }
0x69: {  	v3 =	vperm.xlane v3, v2  }
0x6a: {  	[hbm4b:s4+s2] =	stream.indirect_vreg.scatter [tilespmem:s24], [sflag:$0x1], $0x80, v4, vm0, $0xb8;
	[tilespmem:$0x10080] =	vst v63  }
0x6b: {  	v3 =	vadd.s32 v1, v3  }
0x6c: {  	[hbm4b:s5+s2] =	stream.indirect_vreg.scatter [tilespmem:s25], [sflag:$0x1], $0x80, v4, vm0, $0xb8;
	[tilespmem:$0x10080] =	vst v63  }
0x6d: {  	_ = 	snop  }
0x6e: {  	[hbm4b:s6+s2] =	stream.indirect_vreg.scatter [tilespmem:s26], [sflag:$0x1], $0x80, v4, vm0, $0xb8;
	[tilespmem:$0x10080] =	vst v63  }
0x6f: {  	_ = 	snop  }
0x70: {  	[hbm4b:s3+s2] =	stream.indirect_vreg.scatter [tilespmem:s28], [sflag:$0x1], $0x80, v3, vm0, $0xb8;
	[tilespmem:$0x10080] =	vst v63  }
0x71: {  	_ = 	snop  }
0x72: {  	[hbm4b:s4+s2] =	stream.indirect_vreg.scatter [tilespmem:s29], [sflag:$0x1], $0x80, v3, vm0, $0xb8;
	[tilespmem:$0x10080] =	vst v63  }
0x73: {  	p0 =	sne.s32 s7, $0x1  }
0x74: {  	[hbm4b:s5+s2] =	stream.indirect_vreg.scatter [tilespmem:s30], [sflag:$0x1], $0x80, v3, vm0, $0xb8;
	[tilespmem:$0x10080] =	vst v63  }
.Ltmp0:
0x75: {  	_ = 	snop;
	(pc) =	sbr.rel @p0 .LBB2_1-.Ltmp0, $4  }
0x76: {  	[hbm4b:s6+s2] =	stream.indirect_vreg.scatter [tilespmem:s31], [sflag:$0x1], $0x80, v3, vm0, $0xb8;
	[tilespmem:$0x10080] =	vst v63  }
0x77: {  	_ =	swait.ge [sflag:s1], $0x10000  }
0x78: {  	[sflag:s1] =	ssyncset.done $0x0  }
0x79: {  	s7 =	sadd.s32 $0xFFFFFFFF, s7;
	[sflag:s1] =	ssyncadd.s32 $0xFFFF0000  }
0x7a: {  	_ =	sfence.sel $0x180000  }
0x7b: {  	[bflag:$0x0] =	sbarrier.arrive $0xFFFF  }
0x7c: {  	_ =	strace $0x90000047  }
0x7d: {  	s0 =	stileid.u32;
	[bflag:$0x2] =	sbarrier.arrive $0xFFFF  }
0x7e: {  	p0 =	sne.s32 s0, $0x0;
	s0 =	rddreg [dreg:$0x2]  }
0x7f: {  	s0 =	sadd.s32 @!p0 $0x100000, s0  }
0x80: {  	[sflag:s0] =	ssyncadd.tile.s32 @!p0 $0x1;
	_ =	shalt  }
.Lfunc_end2:
_tile_overlayer_lowered:
.L_overlay_start_2:
0x81: {  	(tag) =	ssettag $0x2  }
0x82: {  	s0 =	rddreg [dreg:$0x0];
	s2 =	stileid.u32  }
0x83: {  	s1 =	rddreg [dreg:$0x1];
	p0 =	sne.s32 s2, $0x0  }
0x84: {  	s3 =	rddreg [dreg:$0x2];
	[bflag:$0x3] =	sbarrier.arrive $0xFFFF;
	s2 =	simm.s32 @!p0 $0x1C02  }
0x85: {  	[timem:s3], [sflag:s2] =	dma.local @!p0 [hbm:s0], s1  }
0x86: {  	s0 =	simm.s32 @!p0 $0x2  }
0x87: {  	_ =	swait.ge @!p0 [sflag:s0], s1  }
0x88: {  	s1 =	ssub.s32 @!p0 $0x0, s1;
	[sflag:s0] =	ssyncset.done @!p0 $0x0  }
0x89: {  	[sflag:s0] =	ssyncadd.s32 @!p0 s1  }
0x8a: {  	[bflag:$0x3] =	sbarrier.arrive $0xFFFF  }
0x8b: {  	_ =	shalt  }

// kernel: kernel.13.cloned.1.call-start
scs
__scs_entry_jumppad:
0x0: {  	(pc) =	sbr.rel $0x88, $3  }
0x1: {  	(tag) =	ssettag $0x0;
	lr =	simm.s32 $0x1  }
0x2: {  	[smem:$0x3F8E] =	sst lr;
	_ =	strace $0xD0000000  }
0x3: {  	_ = 	snop  }
0x4: {  	_ = 	snop  }
0x5: {  	_ = 	snop  }
0x6: {  	_ = 	snop  }
0x7: {  	_ = 	snop  }
__scs_overlays_trampoline_lowered:
0x8: {  	[smem:$0x3F9D] =	sst s0  }
0x9: {  	[smem:$0x3F9E] =	sst s1  }
0xa: {  	[smem:$0x3F9F] =	sst s2  }
0xb: {  	[smem:$0x3FA0] =	sst s3  }
0xc: {  	[smem:$0x3FA1] =	sst s4  }
0xd: {  	[smem:$0x3FA2] =	sst s5  }
0xe: {  	[smem:$0x3FA3] =	sst s6  }
0xf: {  	[smem:$0x3FA4] =	sst s7  }
0x10: {  	[smem:$0x3FA5] =	sst s8  }
0x11: {  	[smem:$0x3FA6] =	sst s9;
	s0 =	simm.s32 @!p0 $0x0  }
0x12: {  	s1 =	sld [smem:$0x3F8C];
	s0 =	simm.s32 @p0 $0x1  }
0x13: {  	[smem:$0x3FA7] =	sst s0;
	s0 =	simm.s32 @!p1 $0x0  }
0x14: {  	s2 =	sld [smem:$0x3F8B];
	s0 =	simm.s32 @p1 $0x1  }
0x15: {  	[smem:$0x3FA8] =	sst s0;
	s0 =	simm.s32 @!p2 $0x0  }
0x16: {  	s3 =	sld [smem:$0x3FDB];
	s0 =	simm.s32 @p2 $0x1  }
0x17: {  	s4 =	simm.s32 $0x1BF5;
	[smem:$0x3FAA] =	sst s0  }
0x18: {  	s0 =	sld [smem:$0x3F8D];
	_ =	swait.ge [sflag:s4], $0x0  }
0x19: {  	s7 =	sld [smem:$0x3F8E]  }
0x1a: {  	s8 =	sadd.s32 $0xFFFFE003, lr  }
0x1b: {  	s9 =	sadd.s32 $0xFFFFFEF7, lr;
	s5 =	simm.s32 $0xFFFFFFFF;
	p2 =	slt.u32 s8, $0xFFFFF086  }
0x1c: {  	p1 =	slt.u32 s9, $0xF7A;
	s5 =	simm.s32 @!p2 $0x0  }
0x1d: {  	s5 =	simm.s32 @p1 $0x1;
	p0 =	seq.s32 s7, s2  }
0x1e: {  	s7 =	smul.u32 @!p0 $0xF7A, s2;
	p2 =	seq.s32 @!p0 s5, $0x0  }
0x1f: {  	s9 =	smul.u32 $0xF7A, s1;
	s8 =	simm.s32 @!p0 $0x1BF5;
	p2 =	por !p2, p0  }
0x20: {  	[sflag:s8] =	ssyncset.s32 @!p0 $0xFFFFF086;
	s6 =	sadd.s32 @!p0 s3, s7;
	s7 =	simm.s32 @!p0 $0x108  }
0x21: {  	s3 =	sadd.s32 s3, s9;
	s6 =	sadd.s32 @!p0 $0x88, s6;
	s7 =	simm.s32 @p2 $0x1082  }
0x22: {  	[simem:s7], [sflag:s8] =	dma.local @!p0 [hbm:s6], $0xF7A  }
0x23: {  	s9 =	sor.u32 $0xD0000000, s2;
	s6 =	simm.s32 $0x108;
	_ =	swait.ge @!p0 [sflag:s8], $0x0  }
0x24: {  	s3 =	sadd.s32 $0x88, s3;
	s6 =	simm.s32 @!p1 $0x1082;
	[sflag:s4] =	ssyncset.s32 $0xFFFFF086  }
0x25: {  	[simem:s6], [sflag:s4] =	dma.local [hbm:s3], $0xF7A  }
0x26: {  	[smem:$0x3F8E] =	sst s1;
	(tag) =	ssettag s2;
	_ =	strace s9  }
0x27: {  	s1 =	sld [smem:$0x3F9E]  }
0x28: {  	s2 =	sld [smem:$0x3F9F]  }
0x29: {  	s4 =	sld [smem:$0x3FA1]  }
0x2a: {  	p0 =	seq.s32 s5, $0x0;
	s5 =	sld [smem:$0x3FA2]  }
0x2b: {  	s6 =	sld [smem:$0x3FA3]  }
0x2c: {  	s7 =	sld [smem:$0x3FA4]  }
0x2d: {  	s3 =	simm.s32 $0x108;
	s8 =	sld [smem:$0x3FA5]  }
0x2e: {  	s3 =	simm.s32 @!p0 $0x1082;
	s9 =	sld [smem:$0x3FA6]  }
0x2f: {  	lr =	sadd.s32 s0, s3;
	s0 =	sld [smem:$0x3F9D]  }
0x30: {  	s3 =	sld [smem:$0x3FA0]  }
0x31: {  	[smem:$0x3FA9] =	sst s10  }
0x32: {  	s10 =	sld [smem:$0x3FA7];
	_ =	sdelay $0x3  }
0x33: {  	p0 =	seq.s32 s10, $0x1;
	s10 =	sld [smem:$0x3FA9];
	_ =	sdelay $0x3  }
0x34: {  	[smem:$0x3FA9] =	sst s10  }
0x35: {  	s10 =	sld [smem:$0x3FA8];
	_ =	sdelay $0x3  }
0x36: {  	p1 =	seq.s32 s10, $0x1;
	s10 =	sld [smem:$0x3FA9];
	_ =	sdelay $0x3  }
0x37: {  	[smem:$0x3FA9] =	sst s10  }
0x38: {  	s10 =	sld [smem:$0x3FAA]  }
0x39: {  	_ = 	snop;
	(pc) =	sbr.ind lr, $3  }
0x3a: {  	_ = 	snop  }
0x3b: {  	_ = 	snop  }
0x3c: {  	p2 =	seq.s32 s10, $0x1;
	s10 =	sld [smem:$0x3FA9]  }
0x3d: {  	_ =	shalt  }
0x3e: {  	_ =	shalt  }
0x3f: {  	_ =	shalt  }
0x40: {  	_ =	shalt  }
0x41: {  	_ =	shalt  }
0x42: {  	_ =	shalt  }
0x43: {  	_ =	shalt  }
0x44: {  	_ =	shalt  }
0x45: {  	_ =	shalt  }
0x46: {  	_ =	shalt  }
0x47: {  	_ =	shalt  }
0x48: {  	_ =	shalt  }
0x49: {  	_ =	shalt  }
0x4a: {  	_ =	shalt  }
0x4b: {  	_ =	shalt  }
0x4c: {  	_ =	shalt  }
0x4d: {  	_ =	shalt  }
0x4e: {  	_ =	shalt  }
0x4f: {  	_ =	shalt  }
0x50: {  	_ =	shalt  }
0x51: {  	_ =	shalt  }
0x52: {  	_ =	shalt  }
0x53: {  	_ =	shalt  }
0x54: {  	_ =	shalt  }
0x55: {  	_ =	shalt  }
0x56: {  	_ =	shalt  }
0x57: {  	_ =	shalt  }
0x58: {  	_ =	shalt  }
0x59: {  	_ =	shalt  }
0x5a: {  	_ =	shalt  }
0x5b: {  	_ =	shalt  }
0x5c: {  	_ =	shalt  }
0x5d: {  	_ =	shalt  }
0x5e: {  	_ =	shalt  }
0x5f: {  	_ =	shalt  }
0x60: {  	_ =	shalt  }
0x61: {  	_ =	shalt  }
0x62: {  	_ =	shalt  }
0x63: {  	_ =	shalt  }
0x64: {  	_ =	shalt  }
0x65: {  	_ =	shalt  }
0x66: {  	_ =	shalt  }
0x67: {  	_ =	shalt  }
0x68: {  	_ =	shalt  }
0x69: {  	_ =	shalt  }
0x6a: {  	_ =	shalt  }
0x6b: {  	_ =	shalt  }
0x6c: {  	_ =	shalt  }
0x6d: {  	_ =	shalt  }
0x6e: {  	_ =	shalt  }
0x6f: {  	_ =	shalt  }
0x70: {  	_ =	shalt  }
0x71: {  	_ =	shalt  }
0x72: {  	_ =	shalt  }
0x73: {  	_ =	shalt  }
0x74: {  	_ =	shalt  }
0x75: {  	_ =	shalt  }
0x76: {  	_ =	shalt  }
0x77: {  	_ =	shalt  }
0x78: {  	_ =	shalt  }
0x79: {  	_ =	shalt  }
0x7a: {  	_ =	shalt  }
0x7b: {  	_ =	shalt  }
0x7c: {  	_ =	shalt  }
0x7d: {  	_ =	shalt  }
0x7e: {  	_ =	shalt  }
0x7f: {  	_ =	shalt  }
0x80: {  	_ =	shalt  }
0x81: {  	_ =	shalt  }
0x82: {  	_ =	shalt  }
0x83: {  	_ =	shalt  }
0x84: {  	_ =	shalt  }
0x85: {  	_ =	shalt  }
0x86: {  	_ =	shalt  }
0x87: {  	_ =	shalt  }
.Lfunc_end0:
.L_simem_size_0:
called_computation.1_lowered:
.L_overlay_start_0:
0x88: {  	s2 =	sld [smem:$0x3FD9]  }
0x89: {  	s3 =	sld [smem:$0x3FFE];
	_ =	sdelay $0x1  }
0x8a: {  	s1 =	srdreg.scid  }
0x8b: {  	s0 =	sand.u32 $0x1, s1  }
0x8c: {  	s16 =	sshll.u32 s0, $0xA;
	s2 =	sadd.s32 s3, s2  }
0x8d: {  	s2 =	sadd.s32 s2, s16  }
0x8e: {  	[smem:$0x3FB5] =	sst s2  }
0x8f: {  	_ = 	snop  }
0x90: {  	(tm) =	ssettm $0x1  }
0x91: {  	s17 =	sld [smem:$0x3FFB];
	_ =	sdelay $0x3  }
0x92: {  	_ =	strace s17  }
0x93: {  	s2 =	sld [smem:$0x3FFC];
	_ =	sdelay $0x3  }
0x94: {  	_ =	strace s2  }
0x95: {  	s2 =	sld [smem:$0x3FFD];
	_ =	sdelay $0x3  }
0x96: {  	_ =	strace s2  }
0x97: {  	_ =	strace $0x8FFFFFFF  }
0x98: {  	s18 =	sld [smem:$0x3FDB];
	_ =	sdelay $0x1  }
0x99: {  	s19 =	simm.s32 $_scs_section_size  }
0x9a: {  	s4 =	simm.s32 $_size__tile_overlayer_lowered;
	s5 =	simm.s32 $_tile_overlayer_lowered  }
0x9b: {  	s22 =	simm.s32 $0x1BFF;
	s21 =	sshll.u32 s5, $0x1;
	s2 =	sadd.s32 s19, s18  }
0x9c: {  	s6 =	simm.s32 $0x0;
	s20 =	sshll.u32 s4, $0x1;
	s4 =	sadd.s32 s21, s2  }
0x9d: {  	[timem:s6], [sflag:s22] =	dma.local [hbm:s4], s20  }
0x9e: {  	_ =	swait.ge [sflag:s22], s20  }
0x9f: {  	s3 =	ssub.s32 $0x0, s20;
	[sflag:s22] =	ssyncset.done $0x0  }
0xa0: {  	[sflag:s22] =	ssyncadd.s32 s3;
	_ =	sdelay $0x1  }
0xa1: {  	s23 =	simm.s32 $0x1B8B  }
0xa2: {  	_ =	swait.ge [sflag:s23], $0x1  }
0xa3: {  	[sflag:s23] =	ssyncset.done $0x0  }
0xa4: {  	s25 =	simm.s32 $0x1B8E;
	s24 =	sld [smem:$0x3FFE];
	[sflag:s23] =	ssyncadd.s32 $0xFFFFFFFF  }
0xa5: {  	s26 =	simm.s32 $execute0_lowered;
	[smem:$0x3FD2] =	sst s25  }
0xa6: {  	s4 =	sshll.u32 s26, $0x1;
	_ =	strace $0x80000049;
	[dreg:$0x1] =	wrdreg $0xFFFFFFFF  }
0xa7: {  	s28 =	simm.s32 $_size_execute0_lowered;
	s2 =	sadd.s32 s2, s4;
	[dreg:$0x0] =	wrdreg $0x0  }
0xa8: {  	s4 =	sshll.u32 s28, $0x1;
	[dreg:$0x2] =	wrdreg s2  }
0xa9: {  	[dreg:$0x3] =	wrdreg s4  }
0xaa: {  	[dreg:$0x4] =	wrdreg $0xC0  }
0xab: {  	_ =	task [dreg:s6], $0x5FFFF  }
0xac: {  	[dreg:$0x1] =	wrdreg $0xFFFFFFFF  }
0xad: {  	[dreg:$0x0] =	wrdreg $0x60  }
0xae: {  	[dreg:$0x2] =	wrdreg s24  }
0xaf: {  	[dreg:$0x3] =	wrdreg $0x9  }
0xb0: {  	_ =	task.clear_ibuf [dreg:s6], $0x4FFFF;
	_ =	strace $0x90000049  }
0xb1: {  	s29 =	simm.s32 $0x9;
	_ =	strace $0x8000004B  }
0xb2: {  	_ =	swait.ge [sflag:s29], $0x1  }
0xb3: {  	[sflag:s29] =	ssyncadd.s32 $0xFFFFFFFF  }
0xb4: {  	_ =	strace $0x9000004B  }
0xb5: {  	_ =	sfence  }
0xb6: {  	s30 =	sld [smem:$0x0];
	_ =	sdelay $0x2  }
0xb7: {  	s31 =	sshll.u32 s1, $0xD;
	s1 =	sshrl.u32 s1, $0x2  }
0xb8: {  	s3 =	sand.u32 $0x4000, s31;
	s1 =	sadd.s32 s1, s30  }
0xb9: {  	s0 =	sor.u32 s3, s0;
	s1 =	sshll.u32 s1, $0x11  }
0xba: {  	s0 =	sor.u32 s1, s0  }
0xbb: {  	s0 =	sadd.s32 $0x8F2B, s0  }
0xbc: {  	[sflag:s0] =	ssyncadd.remote.s32 $0x1  }
0xbd: {  	_ =	sfence.sel $0xFFFF  }
0xbe: {  	[dreg:$0x0] =	wrdreg $0xFFFFFFFF;
	(pc) =	sbr.abs _section_cstart, $3  }
0xbf: {  	[dreg:$0x1] =	wrdreg $0xFFFFFFFF  }
0xc0: {  	_ =	task.clear_ibuf [dreg:s6], $0x2FFFF;
	_ =	strace $0x9FFFFFFF  }
0xc1: {  	(tm) =	ssettm $0x7FFFFFFF  }
tec
execute0_lowered:
.L_overlay_start_1:
0x0: {  	(tag) =	ssettag $0x1  }
0x1: {  	s1 =	srdreg.scid  }
0x2: {  	s0 =	stileid.u32;
	s6 =	rddreg [dreg:$0x0]  }
0x3: {  	s19 =	simm.s32 $0x880;
	s20 =	simm.s32 $0x1080;
	s21 =	simm.s32 $0x1880  }
0x4: {  	s22 =	simm.s32 $0x2080;
	s23 =	simm.s32 $0x2880;
	s7 =	simm.s32 $0x3080  }
0x5: {  	s24 =	simm.s32 $0x3880;
	s8 =	simm.s32 $0x4080;
	s25 =	simm.s32 $0x4880  }
0x6: {  	s26 =	simm.s32 $0x5080;
	s9 =	simm.s32 $0x80;
	s1 =	sand.u32 $0x1, s1  }
0x7: {  	s11 =	simm.s32 $0x6080;
	s2 =	sshll.u32 s0, $0x7;
	s3 =	sshll.u32 s1, $0x6  }
0x8: {  	s12 =	simm.s32 $0x6880;
	s3 =	sor.u32 s3, s2;
	s2 =	simm.s32 $0x0  }
0x9: {  	s13 =	simm.s32 $0x7080;
	s14 =	simm.s32 $0x7880;
	[smem:$0x7FF] =	sst s2  }
0xa: {  	s15 =	simm.s32 $0x8080;
	_ =	strace $0x8000004A;
	[dreg:$0x4] =	wrdreg s19  }
0xb: {  	s16 =	simm.s32 $0x8880;
	s17 =	simm.s32 $0x9080;
	[dreg:$0x5] =	wrdreg s20  }
0xc: {  	s18 =	simm.s32 $0x9880;
	s28 =	simm.s32 $0xE080;
	[dreg:$0x6] =	wrdreg s21  }
0xd: {  	s29 =	simm.s32 $0xE880;
	s30 =	simm.s32 $0xF080;
	[dreg:$0x7] =	wrdreg s22  }
0xe: {  	s31 =	simm.s32 $0xF880;
	s1 =	ssub.s32 $0x2, s1;
	[dreg:$0x8] =	wrdreg s23  }
0xf: {  	s5 =	sshrl.u32 s1, $0x1;
	s4 =	sshrl.u32 s3, $0x3;
	[dreg:$0x9] =	wrdreg s7  }
0x10: {  	s3 =	sshll.u32 s3, $0x7;
	s1 =	ssub.s32 s1, s5;
	[dreg:$0xa] =	wrdreg s24  }
0x11: {  	s5 =	sadd.s32 $0x3600, s6;
	s4 =	sadd.s32 s4, s6;
	[dreg:$0xb] =	wrdreg s8  }
0x12: {  	s3 =	sadd.s32 s3, s6;
	s7 =	smax.u32 s1, $0x1;
	[dreg:$0xc] =	wrdreg s25  }
0x13: {  	s8 =	simm.s32 $0x2;
	[dreg:$0xd] =	wrdreg s26;
	s19 =	simm.s32 $0xA080  }
0x14: {  	s20 =	simm.s32 $0xA880;
	s21 =	simm.s32 $0xB080;
	s22 =	simm.s32 $0xB880  }
0x15: {  	s23 =	simm.s32 $0xC080;
	s24 =	simm.s32 $0xC880;
	s4 =	sadd.s32 $0x3200, s4  }
0x16: {  	v2 =	vlaneseq.u32;
	s25 =	simm.s32 $0xD080;
	s3 =	sadd.s32 $0x83400, s3;
	[dreg:$0x2] =	wrdreg s4  }
0x17: {  	vm0 =	vmmov $0xffff;
	v1 =	vshrl.u32 v2, $0x3;
	s26 =	simm.s32 $0xD880;
	s1 =	simm.s32 $0x1;
	[dreg:$0x3] =	wrdreg s3  }
0x18: {  	v0 =	vand.u32 $0x7, v2;
	v2 =	vor.u32 $0x8, v2;
	v1 =	vmul.u32 $0x8, v1;
	s3 =	sadd.s32 $0x3400, s6;
	s4 =	sadd.s32 $0x3500, s6;
	s6 =	sadd.s32 $0x3700, s6  }
.LBB2_1:
0x19: {  	s0 =	rddreg [dreg:$0x2]  }
0x1a: {  	[tilespmem:s2], [sflag:$0x2] =	stream.linear.gather [hbm4b:s0+s2], $0x40, $0x38;
	[tilespmem:$0x10080] =	vst v63  }
0x1b: {  	_ =	swait.ge [sflag:s8], $0x40  }
0x1c: {  	[sflag:s8] =	ssyncset.done $0x0  }
0x1d: {  	[sflag:s8] =	ssyncadd.s32 $0xFFFFFFC0  }
0x1e: {  	v3 =	vld [tilespmem:$0x0];
	_ =	sdelay $0x4  }
0x1f: {  	v4 =	vshll.u32 v3, $0x3  }
0x20: {  	v3 =	vand.u32 $0x7, v3;
	v4 =	vand.u32 $0xFFFFFFC0, v4  }
0x21: {  	v3 =	vor.u32 v3, v4  }
0x22: {  	v4 =	vperm.xlane v3, v0;
	_ =	sdelay $0x1  }
0x23: {  	v4 =	vadd.s32 v1, v4;
	_ =	sdelay $0x4  }
0x24: {  	[tilespmem:s9], [sflag:$0x1] =	stream.indirect_vreg.gather [hbm4b:s3+s2], $0x80, v4, vm0, $0xb8;
	[tilespmem:$0x10080] =	vst v63  }
0x25: {  	s0 =	rddreg [dreg:$0x4];
	v3 =	vperm.xlane v3, v2  }
0x26: {  	[tilespmem:s0], [sflag:$0x1] =	stream.indirect_vreg.gather [hbm4b:s4+s2], $0x80, v4, vm0, $0xb8;
	[tilespmem:$0x10080] =	vst v63  }
0x27: {  	s10 =	rddreg [dreg:$0x5];
	v3 =	vadd.s32 v1, v3  }
0x28: {  	[tilespmem:s10], [sflag:$0x1] =	stream.indirect_vreg.gather [hbm4b:s5+s2], $0x80, v4, vm0, $0xb8;
	[tilespmem:$0x10080] =	vst v63  }
0x29: {  	s0 =	rddreg [dreg:$0x6]  }
0x2a: {  	[tilespmem:s0], [sflag:$0x1] =	stream.indirect_vreg.gather [hbm4b:s6+s2], $0x80, v4, vm0, $0xb8;
	[tilespmem:$0x10080] =	vst v63  }
0x2b: {  	s10 =	rddreg [dreg:$0x7]  }
0x2c: {  	[tilespmem:s10], [sflag:$0x1] =	stream.indirect_vreg.gather [hbm4b:s3+s2], $0x80, v3, vm0, $0xb8;
	[tilespmem:$0x10080] =	vst v63  }
0x2d: {  	s0 =	rddreg [dreg:$0x8]  }
0x2e: {  	[tilespmem:s0], [sflag:$0x1] =	stream.indirect_vreg.gather [hbm4b:s4+s2], $0x80, v3, vm0, $0xb8;
	[tilespmem:$0x10080] =	vst v63  }
0x2f: {  	s10 =	rddreg [dreg:$0x9]  }
0x30: {  	[tilespmem:s10], [sflag:$0x1] =	stream.indirect_vreg.gather [hbm4b:s5+s2], $0x80, v3, vm0, $0xb8;
	[tilespmem:$0x10080] =	vst v63  }
0x31: {  	s0 =	rddreg [dreg:$0xa]  }
0x32: {  	[tilespmem:s0], [sflag:$0x1] =	stream.indirect_vreg.gather [hbm4b:s6+s2], $0x80, v3, vm0, $0xb8;
	[tilespmem:$0x10080] =	vst v63  }
0x33: {  	v3 =	vld [tilespmem:$0x10];
	_ =	sdelay $0x4  }
0x34: {  	v61 =	vshll.u32 v3, $0x3  }
0x35: {  	v3 =	vand.u32 $0x7, v3;
	v4 =	vand.u32 $0xFFFFFFC0, v61  }
0x36: {  	v3 =	vor.u32 v3, v4  }
0x37: {  	v4 =	vperm.xlane v3, v0;
	_ =	sdelay $0x1  }
0x38: {  	v4 =	vadd.s32 v1, v4;
	_ =	sdelay $0x3  }
0x39: {  	s0 =	rddreg [dreg:$0xb]  }
0x3a: {  	[tilespmem:s0], [sflag:$0x1] =	stream.indirect_vreg.gather [hbm4b:s3+s2], $0x80, v4, vm0, $0xb8;
	[tilespmem:$0x10080] =	vst v63  }
0x3b: {  	s10 =	rddreg [dreg:$0xc];
	v3 =	vperm.xlane v3, v2  }
0x3c: {  	[tilespmem:s10], [sflag:$0x1] =	stream.indirect_vreg.gather [hbm4b:s4+s2], $0x80, v4, vm0, $0xb8;
	[tilespmem:$0x10080] =	vst v63  }
0x3d: {  	v3 =	vadd.s32 v1, v3;
	s0 =	rddreg [dreg:$0xd]  }
0x3e: {  	[tilespmem:s0], [sflag:$0x1] =	stream.indirect_vreg.gather [hbm4b:s5+s2], $0x80, v4, vm0, $0xb8;
	[tilespmem:$0x10080] =	vst v63  }
0x3f: {  	s10 =	simm.s32 $0x5880  }
0x40: {  	[tilespmem:s10], [sflag:$0x1] =	stream.indirect_vreg.gather [hbm4b:s6+s2], $0x80, v4, vm0, $0xb8;
	[tilespmem:$0x10080] =	vst v63  }
0x41: {  	_ = 	snop  }
0x42: {  	[tilespmem:s11], [sflag:$0x1] =	stream.indirect_vreg.gather [hbm4b:s3+s2], $0x80, v3, vm0, $0xb8;
	[tilespmem:$0x10080] =	vst v63  }
0x43: {  	_ = 	snop  }
0x44: {  	[tilespmem:s12], [sflag:$0x1] =	stream.indirect_vreg.gather [hbm4b:s4+s2], $0x80, v3, vm0, $0xb8;
	[tilespmem:$0x10080] =	vst v63  }
0x45: {  	_ = 	snop  }
0x46: {  	[tilespmem:s13], [sflag:$0x1] =	stream.indirect_vreg.gather [hbm4b:s5+s2], $0x80, v3, vm0, $0xb8;
	[tilespmem:$0x10080] =	vst v63  }
0x47: {  	_ = 	snop  }
0x48: {  	[tilespmem:s14], [sflag:$0x1] =	stream.indirect_vreg.gather [hbm4b:s6+s2], $0x80, v3, vm0, $0xb8;
	[tilespmem:$0x10080] =	vst v63  }
0x49: {  	v3 =	vld [tilespmem:$0x20];
	_ =	sdelay $0x4  }
0x4a: {  	v62 =	vshll.u32 v3, $0x3  }
0x4b: {  	v3 =	vand.u32 $0x7, v3;
	v4 =	vand.u32 $0xFFFFFFC0, v62  }
0x4c: {  	v3 =	vor.u32 v3, v4  }
0x4d: {  	v4 =	vperm.xlane v3, v0;
	_ =	sdelay $0x1  }
0x4e: {  	v4 =	vadd.s32 v1, v4;
	_ =	sdelay $0x4  }
0x4f: {  	[tilespmem:s15], [sflag:$0x1] =	stream.indirect_vreg.gather [hbm4b:s3+s2], $0x80, v4, vm0, $0xb8;
	[tilespmem:$0x10080] =	vst v63  }
0x50: {  	v3 =	vperm.xlane v3, v2  }
0x51: {  	[tilespmem:s16], [sflag:$0x1] =	stream.indirect_vreg.gather [hbm4b:s4+s2], $0x80, v4, vm0, $0xb8;
	[tilespmem:$0x10080] =	vst v63  }
0x52: {  	v3 =	vadd.s32 v1, v3  }
0x53: {  	[tilespmem:s17], [sflag:$0x1] =	stream.indirect_vreg.gather [hbm4b:s5+s2], $0x80, v4, vm0, $0xb8;
	[tilespmem:$0x10080] =	vst v63  }
0x54: {  	_ = 	snop  }
0x55: {  	[tilespmem:s18], [sflag:$0x1] =	stream.indirect_vreg.gather [hbm4b:s6+s2], $0x80, v4, vm0, $0xb8;
	[tilespmem:$0x10080] =	vst v63  }
0x56: {  	_ = 	snop  }
0x57: {  	[tilespmem:s19], [sflag:$0x1] =	stream.indirect_vreg.gather [hbm4b:s3+s2], $0x80, v3, vm0, $0xb8;
	[tilespmem:$0x10080] =	vst v63  }
0x58: {  	_ = 	snop  }
0x59: {  	[tilespmem:s20], [sflag:$0x1] =	stream.indirect_vreg.gather [hbm4b:s4+s2], $0x80, v3, vm0, $0xb8;
	[tilespmem:$0x10080] =	vst v63  }
0x5a: {  	_ = 	snop  }
0x5b: {  	[tilespmem:s21], [sflag:$0x1] =	stream.indirect_vreg.gather [hbm4b:s5+s2], $0x80, v3, vm0, $0xb8;
	[tilespmem:$0x10080] =	vst v63  }
0x5c: {  	_ = 	snop  }
0x5d: {  	[tilespmem:s22], [sflag:$0x1] =	stream.indirect_vreg.gather [hbm4b:s6+s2], $0x80, v3, vm0, $0xb8;
	[tilespmem:$0x10080] =	vst v63  }
0x5e: {  	v3 =	vld [tilespmem:$0x30];
	_ =	sdelay $0x4  }
0x5f: {  	v63 =	vshll.u32 v3, $0x3  }
0x60: {  	v3 =	vand.u32 $0x7, v3;
	v4 =	vand.u32 $0xFFFFFFC0, v63  }
0x61: {  	v3 =	vor.u32 v3, v4  }
0x62: {  	v4 =	vperm.xlane v3, v0;
	_ =	sdelay $0x1  }
0x63: {  	v4 =	vadd.s32 v1, v4;
	_ =	sdelay $0x4  }
0x64: {  	[tilespmem:s23], [sflag:$0x1] =	stream.indirect_vreg.gather [hbm4b:s3+s2], $0x80, v4, vm0, $0xb8;
	[tilespmem:$0x10080] =	vst v63  }
0x65: {  	v3 =	vperm.xlane v3, v2  }
0x66: {  	[tilespmem:s24], [sflag:$0x1] =	stream.indirect_vreg.gather [hbm4b:s4+s2], $0x80, v4, vm0, $0xb8;
	[tilespmem:$0x10080] =	vst v63  }
0x67: {  	v3 =	vadd.s32 v1, v3  }
0x68: {  	[tilespmem:s25], [sflag:$0x1] =	stream.indirect_vreg.gather [hbm4b:s5+s2], $0x80, v4, vm0, $0xb8;
	[tilespmem:$0x10080] =	vst v63  }
0x69: {  	_ = 	snop  }
0x6a: {  	[tilespmem:s26], [sflag:$0x1] =	stream.indirect_vreg.gather [hbm4b:s6+s2], $0x80, v4, vm0, $0xb8;
	[tilespmem:$0x10080] =	vst v63  }
0x6b: {  	_ = 	snop  }
0x6c: {  	[tilespmem:s28], [sflag:$0x1] =	stream.indirect_vreg.gather [hbm4b:s3+s2], $0x80, v3, vm0, $0xb8;
	[tilespmem:$0x10080] =	vst v63  }
0x6d: {  	_ = 	snop  }
0x6e: {  	[tilespmem:s29], [sflag:$0x1] =	stream.indirect_vreg.gather [hbm4b:s4+s2], $0x80, v3, vm0, $0xb8;
	[tilespmem:$0x10080] =	vst v63  }
0x6f: {  	_ = 	snop  }
0x70: {  	[tilespmem:s30], [sflag:$0x1] =	stream.indirect_vreg.gather [hbm4b:s5+s2], $0x80, v3, vm0, $0xb8;
	[tilespmem:$0x10080] =	vst v63  }
0x71: {  	_ = 	snop  }
0x72: {  	[tilespmem:s31], [sflag:$0x1] =	stream.indirect_vreg.gather [hbm4b:s6+s2], $0x80, v3, vm0, $0xb8;
	[tilespmem:$0x10080] =	vst v63  }
0x73: {  	_ =	swait.ge [sflag:s1], $0x10000  }
0x74: {  	p0 =	sne.s32 s7, $0x1;
	[sflag:s1] =	ssyncset.done $0x0  }
.Ltmp0:
0x75: {  	s10 =	rddreg [dreg:$0x3];
	[sflag:s1] =	ssyncadd.s32 $0xFFFF0000;
	(pc) =	sbr.rel @p0 .LBB2_1-.Ltmp0, $4  }
0x76: {  	[hbm4b:s10+s2] =	stream.linear.scatter [tilespmem:s9], [sflag:$0x2], $0x10000, $0x38;
	[tilespmem:$0x10080] =	vst v63  }
0x77: {  	_ =	swait.ge [sflag:s8], $0x10000  }
0x78: {  	[sflag:s8] =	ssyncset.done $0x0  }
0x79: {  	s7 =	sadd.s32 $0xFFFFFFFF, s7;
	[sflag:s8] =	ssyncadd.s32 $0xFFFF0000  }
0x7a: {  	_ =	sfence.sel $0x180000  }
0x7b: {  	[bflag:$0x0] =	sbarrier.arrive $0xFFFF  }
0x7c: {  	_ =	strace $0x9000004A  }
0x7d: {  	s0 =	stileid.u32;
	[bflag:$0x2] =	sbarrier.arrive $0xFFFF  }
0x7e: {  	p0 =	sne.s32 s0, $0x0;
	s0 =	rddreg [dreg:$0x1]  }
0x7f: {  	s0 =	sadd.s32 @!p0 $0x100000, s0  }
0x80: {  	[sflag:s0] =	ssyncadd.tile.s32 @!p0 $0x1;
	_ =	shalt  }
.Lfunc_end2:
_tile_overlayer_lowered:
.L_overlay_start_2:
0x81: {  	(tag) =	ssettag $0x2  }
0x82: {  	s0 =	rddreg [dreg:$0x0];
	s2 =	stileid.u32  }
0x83: {  	s1 =	rddreg [dreg:$0x1];
	p0 =	sne.s32 s2, $0x0  }
0x84: {  	s3 =	rddreg [dreg:$0x2];
	[bflag:$0x3] =	sbarrier.arrive $0xFFFF;
	s2 =	simm.s32 @!p0 $0x1C02  }
0x85: {  	[timem:s3], [sflag:s2] =	dma.local @!p0 [hbm:s0], s1  }
0x86: {  	s0 =	simm.s32 @!p0 $0x2  }
0x87: {  	_ =	swait.ge @!p0 [sflag:s0], s1  }
0x88: {  	s1 =	ssub.s32 @!p0 $0x0, s1;
	[sflag:s0] =	ssyncset.done @!p0 $0x0  }
0x89: {  	[sflag:s0] =	ssyncadd.s32 @!p0 s1  }
0x8a: {  	[bflag:$0x3] =	sbarrier.arrive $0xFFFF  }
0x8b: {  	_ =	shalt  }

</sc_bundles>
